<compile_context>
chip_gen: v7x
topology: tpu7x:2x2x1
jax: 0.10.2.dev20260603
libtpu: 0.0.44.dev20260713+nightly
codegen_flags: <defaults>
</compile_context>

<pallas_src>
import numpy as np
import jax
import jax.numpy as jnp
from jax import lax
from jax.experimental import pallas as pl
from jax.experimental.pallas import tpu as pltpu
from jax.experimental.pallas import tpu_sc as plsc

N = 10000
E = 320000
HID = 128
N_LAYERS = 4
N_CLASSES = 10

NC = 2
NS = 16
NW = NC * NS
CPT = HID // NW

CHE = 2048
E_PAD = 327680
CHUNKS = E_PAD // CHE
N_TC = 10240
BNT = 1280

_MASK_HI = np.int32(-65536)
_MASK_LO = np.int32(0xFFFF)



def _sc_msg_body(hpT_hbm, pk_hbm, filtT_hbm, outT_hbm,
                 idx_v, filt_v, hp_v, agg_v, sem_i, sem_f):
    c = lax.axis_index("c")
    s = lax.axis_index("s")
    wid = c * NS + s

    zero16 = jnp.zeros((16,), jnp.float32)

    pltpu.sync_copy(hpT_hbm.at[wid], hp_v)

    def zcol(w, _):
        agg_v[pl.ds(w * 16, 16)] = zero16
        return 0
    lax.fori_loop(0, CPT * N_TC // 16, zcol, 0, unroll=4)

    def issue_loads(g, b):
        pltpu.async_copy(pk_hbm.at[pl.ds(g * CHE, CHE)], idx_v.at[b],
                         sem_i.at[b])
        pltpu.async_copy(filtT_hbm.at[wid, :, pl.ds(g * (CHE // 2),
                                                    CHE // 2)],
                         filt_v.at[b], sem_f.at[b])

    def wait_loads(g, b):
        pltpu.make_async_copy(pk_hbm.at[pl.ds(g * CHE, CHE)], idx_v.at[b],
                              sem_i.at[b]).wait()
        pltpu.make_async_copy(filtT_hbm.at[wid, :, pl.ds(g * (CHE // 2),
                                                         CHE // 2)],
                              filt_v.at[b], sem_f.at[b]).wait()

    def compute(b):
        @plsc.parallel_loop(0, CHE // 32, unroll=4)
        def _edge_step(i):
            pkA = idx_v[b, pl.ds(i * 32, 16)]
            pkB = idx_v[b, pl.ds(i * 32 + 16, 16)]
            sA = pkA & _MASK_LO
            dA = lax.shift_right_logical(pkA, 16)
            sB = pkB & _MASK_LO
            dB = lax.shift_right_logical(pkB, 16)
            for c4 in range(CPT):
                off = np.int32(c4 * N_TC)
                fw = filt_v[b, c4, pl.ds(i * 16, 16)]
                fa = jax.lax.bitcast_convert_type(fw << 16, jnp.float32)
                fb = jax.lax.bitcast_convert_type(fw & _MASK_HI,
                                                  jnp.float32)
                gA = plsc.load_gather(hp_v, [sA + off])
                gB = plsc.load_gather(hp_v, [sB + off])
                plsc.addupdate_scatter(agg_v, [dA + off], gA * fa)
                plsc.addupdate_scatter(agg_v, [dB + off], gB * fb)

    issue_loads(0, 0)
    issue_loads(1, 1)

    def outer(gg, _):
        for b in range(2):
            g = gg * 2 + b
            wait_loads(g, b)
            compute(b)

            @pl.when(g + 2 < CHUNKS)
            def _():
                issue_loads(g + 2, b)
        return 0

    lax.fori_loop(0, CHUNKS // 2, outer, 0)

    pltpu.sync_copy(agg_v, outT_hbm.at[wid])


@jax.jit
def _sc_msg(hpT3, pk, filtT3):
    kern = pl.kernel(
        _sc_msg_body,
        out_type=jax.ShapeDtypeStruct((NW, CPT * N_TC), jnp.float32),
        mesh=plsc.VectorSubcoreMesh(core_axis_name="c", subcore_axis_name="s"),
        compiler_params=pltpu.CompilerParams(needs_layout_passes=False),
        scratch_types=[
            pltpu.VMEM((2, CHE), jnp.int32),
            pltpu.VMEM((2, CPT, CHE // 2), jnp.int32),
            pltpu.VMEM((CPT * N_TC,), jnp.float32),
            pltpu.VMEM((CPT * N_TC,), jnp.float32),
            pltpu.SemaphoreType.DMA((2,)),
            pltpu.SemaphoreType.DMA((2,)),
        ],
    )
    return kern(hpT3, pk, filtT3)



BE = 2048


def _filt_body(dist_ref, wf1_ref, bf1_ref, wf2_ref, bf2_ref, out_ref):
    d = dist_ref[0, 0, :]
    centers = lax.broadcasted_iota(jnp.int32, (BE, HID), 1).astype(
        jnp.float32) * (1.0 / (HID - 1))
    dd = d[:, None] - centers
    bf = jnp.exp(dd * dd * (-float(HID)))
    cut = 0.5 * (jnp.cos(jnp.pi * jnp.clip(d, 0.0, 1.0)) + 1.0)
    bf = bf * cut[:, None]
    t = bf @ wf1_ref[...] + bf1_ref[...]
    t = jnp.logaddexp(t, 0.0)
    f = t @ wf2_ref[...] + bf2_ref[...]
    f3 = f.reshape(BE // 2, 2, HID)
    fe = f3[:, 0, :]
    fo = f3[:, 1, :]
    we = jax.lax.bitcast_convert_type(fe.astype(jnp.bfloat16),
                                      jnp.int16).astype(jnp.int32)
    wo = jax.lax.bitcast_convert_type(fo.astype(jnp.bfloat16),
                                      jnp.int16).astype(jnp.int32)
    out_ref[...] = ((we & 0xFFFF) | (wo << 16)).T


def _filt(dist3d, Wf1, bf1, Wf2, bf2):
    nb = E_PAD // BE
    return pl.pallas_call(
        _filt_body,
        grid=(nb,),
        in_specs=[
            pl.BlockSpec((1, 1, BE), lambda i: (i, 0, 0)),
            pl.BlockSpec((HID, HID), lambda i: (0, 0)),
            pl.BlockSpec((1, HID), lambda i: (0, 0)),
            pl.BlockSpec((HID, HID), lambda i: (0, 0)),
            pl.BlockSpec((1, HID), lambda i: (0, 0)),
        ],
        out_specs=pl.BlockSpec((HID, BE // 2), lambda i: (0, i)),
        out_shape=jax.ShapeDtypeStruct((HID, E_PAD // 2), jnp.int32),
    )(dist3d, Wf1, bf1, Wf2, bf2)


def _mmT_body(w_ref, xT_ref, out_ref):
    out_ref[...] = jnp.dot(w_ref[...].T, xT_ref[...])


def _mmT(w, xT):
    return pl.pallas_call(
        _mmT_body,
        grid=(N_TC // BNT,),
        in_specs=[
            pl.BlockSpec((HID, HID), lambda i: (0, 0)),
            pl.BlockSpec((HID, BNT), lambda i: (0, i)),
        ],
        out_specs=pl.BlockSpec((HID, BNT), lambda i: (0, i)),
        out_shape=jax.ShapeDtypeStruct((HID, N_TC), jnp.float32),
    )(w, xT)


def _denseT_body(a_ref, w2_ref, b2_ref, w1n_ref, out_ref):
    h = jnp.maximum(jnp.dot(w2_ref[...].T, a_ref[...]) + b2_ref[...],
                    0.0)
    out_ref[...] = jnp.dot(w1n_ref[...].T, h)


def _denseT(aT, W2i, b2i, W1n):
    return pl.pallas_call(
        _denseT_body,
        grid=(N_TC // BNT,),
        in_specs=[
            pl.BlockSpec((HID, BNT), lambda i: (0, i)),
            pl.BlockSpec((HID, HID), lambda i: (0, 0)),
            pl.BlockSpec((HID, 1), lambda i: (0, 0)),
            pl.BlockSpec((HID, HID), lambda i: (0, 0)),
        ],
        out_specs=pl.BlockSpec((HID, BNT), lambda i: (0, i)),
        out_shape=jax.ShapeDtypeStruct((HID, N_TC), jnp.float32),
    )(aT, W2i, b2i, W1n)


def _finalT_body(a_ref, w2_ref, b2_ref, wfc_ref, bfc_ref, out_ref, acc_ref):
    i = pl.program_id(0)
    h = jnp.maximum(jnp.dot(w2_ref[...].T, a_ref[...]) + b2_ref[...],
                    0.0)
    col = lax.broadcasted_iota(jnp.int32, (HID, BNT), 1) + i * BNT
    h = jnp.where(col < N, h, 0.0)
    rowsum = jnp.sum(h, axis=1, keepdims=True)

    @pl.when(i == 0)
    def _():
        acc_ref[...] = rowsum

    @pl.when(i > 0)
    def _():
        acc_ref[...] = acc_ref[...] + rowsum

    @pl.when(i == pl.num_programs(0) - 1)
    def _():
        g = acc_ref[...].T * (1.0 / N)
        logits = g @ wfc_ref[...] + bfc_ref[...]
        m = jnp.max(logits, axis=1, keepdims=True)
        z = logits - m
        lse = jnp.log(jnp.sum(jnp.exp(z), axis=1, keepdims=True))
        out_ref[...] = z - lse


def _finalT(aT, W2i, b2i, Wfc, bfc):
    return pl.pallas_call(
        _finalT_body,
        grid=(N_TC // BNT,),
        in_specs=[
            pl.BlockSpec((HID, BNT), lambda i: (0, i)),
            pl.BlockSpec((HID, HID), lambda i: (0, 0)),
            pl.BlockSpec((HID, 1), lambda i: (0, 0)),
            pl.BlockSpec((HID, N_CLASSES), lambda i: (0, 0)),
            pl.BlockSpec((1, N_CLASSES), lambda i: (0, 0)),
        ],
        out_specs=pl.BlockSpec((1, N_CLASSES), lambda i: (0, 0)),
        out_shape=jax.ShapeDtypeStruct((1, N_CLASSES), jnp.float32),
        scratch_shapes=[pltpu.VMEM((HID, 1), jnp.float32)],
    )(aT, W2i, b2i, Wfc, bfc)



def kernel(x, edge_index, edge_dist, W1, W2, b2, Wf1, bf1, Wf2, bf2, Wfc, bfc):
    src = edge_index[0]
    dst = edge_index[1]
    pad = E_PAD - E
    src_p = jnp.concatenate([src, jnp.zeros((pad,), jnp.int32)])
    dst_p = jnp.concatenate([dst, jnp.full((pad,), N, jnp.int32)])
    pk = src_p + dst_p * 65536
    pk = pk.reshape(E_PAD // 32, 16, 2).transpose(0, 2, 1).reshape(E_PAD)
    dist_p = jnp.concatenate([edge_dist, jnp.zeros((pad,), jnp.float32)])
    dist3d = dist_p.reshape(E_PAD // BE, 1, BE)

    filtT3 = _filt(dist3d, Wf1, bf1.reshape(1, HID), Wf2,
                   bf2.reshape(1, HID)).reshape(NW, CPT, E_PAD // 2)

    xT = jnp.pad(x.T, ((0, 0), (0, N_TC - N)))
    hpT = _mmT(W1[0], xT)
    b2c = b2.reshape(N_LAYERS, HID, 1)
    for i in range(N_LAYERS):
        aggT3 = _sc_msg(hpT.reshape(NW, CPT * N_TC), pk, filtT3)
        aT = aggT3.reshape(HID, N_TC)
        if i < N_LAYERS - 1:
            hpT = _denseT(aT, W2[i], b2c[i], W1[i + 1])
        else:
            out = _finalT(aT, W2[i], b2c[i], Wfc, bfc.reshape(1, N_CLASSES))
    return out

# --- scband reference (transcript-rebuilt; emitter-appended) ---
"""Pipeline reference for scband-alignn-57939108823521 (READ-ONLY COPY).

The authoritative reference and input builder live on the scoring server;
editing this copy changes nothing except your own understanding.
"""

import jax, jax.numpy as jnp
import numpy as np

N = 10000
E = 320000
F_IN = 128
HID = 128
N_LAYERS = 4
N_CLASSES = 10


def setup_inputs(seed: int = 0) -> dict:
    key = jax.random.key(seed)
    ks = jax.random.split(key, 12)
    s = 1.0 / np.sqrt(HID)
    inp = {}
    inp["x"] = jax.random.normal(ks[0], (N, F_IN), dtype=jnp.float32)
    inp["edge_index"] = jax.random.randint(ks[1], (2, E), 0, N, dtype=jnp.int32)
    inp["edge_dist"] = jax.random.uniform(ks[2], (E,), dtype=jnp.float32)
    # SchnetConv layer weights (layer 0 has in=F_IN==HID, so stacked shape is uniform)
    inp["W1"] = jax.random.normal(ks[3], (N_LAYERS, HID, HID), dtype=jnp.float32) * s
    inp["W2"] = jax.random.normal(ks[4], (N_LAYERS, HID, HID), dtype=jnp.float32) * s
    inp["b2"] = jnp.zeros((N_LAYERS, HID), dtype=jnp.float32)
    # radial embedding filter MLP (shared across layers, as in Alignn.radial_embedding)
    inp["Wf1"] = jax.random.normal(ks[5], (HID, HID), dtype=jnp.float32) * s
    inp["bf1"] = jnp.zeros((HID,), dtype=jnp.float32)
    inp["Wf2"] = jax.random.normal(ks[6], (HID, HID), dtype=jnp.float32) * s
    inp["bf2"] = jnp.zeros((HID,), dtype=jnp.float32)
    # readout fc
    inp["Wfc"] = jax.random.normal(ks[7], (HID, N_CLASSES), dtype=jnp.float32) * s
    inp["bfc"] = jnp.zeros((N_CLASSES,), dtype=jnp.float32)
    return inp


def reference(x, edge_index, edge_dist, W1, W2, b2, Wf1, bf1, Wf2, bf2, Wfc, bfc):
    src = edge_index[0]
    dst = edge_index[1]
    # radial basis expansion over range (0, 1) with cosine cutoff: g.edata['bf'] = bf * cutoff
    centers = jnp.linspace(0.0, 1.0, HID)
    gamma = float(HID)
    bf = jnp.exp(-gamma * (edge_dist[:, None] - centers[None, :]) ** 2)
    cutoff = 0.5 * (jnp.cos(jnp.pi * jnp.clip(edge_dist, 0.0, 1.0)) + 1.0)
    bf = bf * cutoff[:, None]
    # radial_embedding MLP -> continuous-filter weights per edge
    filt = jax.nn.softplus(bf @ Wf1 + bf1) @ Wf2 + bf2
    # SchnetConv stack: x = relu(layer(g, x))
    h = x
    for i in range(N_LAYERS):
        hp = h @ W1[i]
        msg = hp[src] * filt  # cfconv: gather src features, modulate by RBF filter
        agg = jax.ops.segment_sum(msg, dst, num_segments=N)  # scatter-add to dst
        h = jax.nn.relu(agg @ W2[i] + b2[i])
    # dgl.mean_nodes over a single graph
    g = jnp.mean(h, axis=0, keepdims=True)
    logits = g @ Wfc + bfc
    return jax.nn.log_softmax(logits, axis=1)

if __name__ == "__main__":
    import jax
    _d = setup_inputs()
    print(jax.jit(kernel)(*tuple(_d.values())))

</pallas_src>

<mosaic_0001>
#map = affine_map<(d0, d1) -> (0, 0)>
#map1 = affine_map<(d0, d1) -> (0)>
#map2 = affine_map<(d0, d1) -> (0, 0, 0)>
module attributes {stable_mosaic.version = 14 : i64} {
  func.func @_sc_msg_body(%arg0: i32, %arg1: i32, %arg2: memref<32x40960xf32, #tpu.memory_space<hbm>>, %arg3: memref<327680xi32, #tpu.memory_space<hbm>>, %arg4: memref<32x4x163840xi32, #tpu.memory_space<hbm>>, %arg5: memref<32x40960xf32, #tpu.memory_space<hbm>>, %arg6: memref<2x2048xi32, #tpu.memory_space<vmem>>, %arg7: memref<2x4x1024xi32, #tpu.memory_space<vmem>>, %arg8: memref<40960xf32, #tpu.memory_space<vmem>>, %arg9: memref<40960xf32, #tpu.memory_space<vmem>>, %arg10: memref<2x!tpu.dma_semaphore, #tpu.memory_space<semaphore_mem>>, %arg11: memref<2x!tpu.dma_semaphore, #tpu.memory_space<semaphore_mem>>) attributes {dimension_semantics = [#tpu.dimension_semantics<core_parallel>, #tpu.dimension_semantics<subcore_parallel>], iteration_bounds = array<i64: 2, 16>, scalar_prefetch = 0 : i64, scratch_operands = 6 : i64, tpu.core_type = #tpu.core_type<sc_vector_subcore>, window_params = [{transform_indices = #map}, {transform_indices = #map1}, {transform_indices = #map2}, {transform_indices = #map}]} {
    %mul3A = arith.constant 16 : i32
    %mul3A_0 = arith.muli %arg0, %mul3A : i32
    %add3A = arith.addi %mul3A_0, %arg1 : i32
    %broadcast_in_dim3A = arith.constant 0.000000e+00 : f32
    %broadcast_in_dim3A_1 = vector.broadcast %broadcast_in_dim3A : f32 to vector<16xf32>
    "tpu.region"() ({
      %run_scoped3A = tpu.sem_alloc : memref<!tpu.dma_semaphore, #tpu.memory_space<semaphore_mem>>
      %dma_start3A_82 = arith.constant 0 : i32
      %dma_start3A_83 = tpu.memref_slice %arg2[%add3A, %dma_start3A_82] : memref<32x40960xf32, #tpu.memory_space<hbm>> -> memref<1x40960xf32, #tpu.memory_space<hbm>>
      %dma_start3A_84 = tpu.memref_squeeze %dma_start3A_83 : memref<1x40960xf32, #tpu.memory_space<hbm>> -> memref<40960xf32, #tpu.memory_space<hbm>>
      %dma_start3A_85 = arith.constant 0 : i32
      %dma_start3A_86 = tpu.memref_slice %arg2[%add3A, %dma_start3A_85] : memref<32x40960xf32, #tpu.memory_space<hbm>> -> memref<1x40960xf32, #tpu.memory_space<hbm>>
      %dma_start3A_87 = tpu.memref_squeeze %dma_start3A_86 : memref<1x40960xf32, #tpu.memory_space<hbm>> -> memref<40960xf32, #tpu.memory_space<hbm>>
      tpu.enqueue_dma source(%dma_start3A_87 : memref<40960xf32, #tpu.memory_space<hbm>>) target(%arg8 : memref<40960xf32, #tpu.memory_space<vmem>>) target_semaphore(%run_scoped3A : memref<!tpu.dma_semaphore, #tpu.memory_space<semaphore_mem>>)
      %dma_wait3A = arith.constant 0 : i32
      %dma_wait3A_88 = tpu.memref_slice %arg2[%add3A, %dma_wait3A] : memref<32x40960xf32, #tpu.memory_space<hbm>> -> memref<1x40960xf32, #tpu.memory_space<hbm>>
      %dma_wait3A_89 = tpu.memref_squeeze %dma_wait3A_88 : memref<1x40960xf32, #tpu.memory_space<hbm>> -> memref<40960xf32, #tpu.memory_space<hbm>>
      %dma_wait3A_90 = arith.constant 0 : i32
      %dma_wait3A_91 = tpu.memref_slice %arg2[%add3A, %dma_wait3A_90] : memref<32x40960xf32, #tpu.memory_space<hbm>> -> memref<1x40960xf32, #tpu.memory_space<hbm>>
      %dma_wait3A_92 = tpu.memref_squeeze %dma_wait3A_91 : memref<1x40960xf32, #tpu.memory_space<hbm>> -> memref<40960xf32, #tpu.memory_space<hbm>>
      tpu.wait_dma2 semaphore(%run_scoped3A : memref<!tpu.dma_semaphore, #tpu.memory_space<semaphore_mem>>) src(%dma_wait3A_92 : memref<40960xf32, #tpu.memory_space<hbm>>) dst(%arg8 : memref<40960xf32, #tpu.memory_space<vmem>>)
      tpu.yield
    }) : () -> ()
    %scan3A = arith.constant 0 : i32
    %scan3A_2 = arith.constant 0 : i32
    %scan3A_3 = arith.constant 2560 : i32
    %scan3A_4 = arith.addi %scan3A_2, %scan3A_3 : i32
    %scan3A_5 = arith.constant 4 : i32
    %scan3A_6 = scf.for %scan3A_82 = %scan3A_2 to %scan3A_4 step %scan3A_5 iter_args(%scan3A_83 = %scan3A) -> (i32)  : i32 {
      %mul3A_84 = arith.constant 16 : i32
      %mul3A_85 = arith.muli %scan3A_82, %mul3A_84 : i32
      %swap3A = arith.index_cast %mul3A_85 : i32 to index
      %swap3A_86 = tpu.vector_load %arg9[%swap3A] {strides = array<i32>} : memref<40960xf32, #tpu.memory_space<vmem>>, vector<16xf32>,
      tpu.vector_store %arg9[%swap3A], %broadcast_in_dim3A_1 {strides = array<i32>} : memref<40960xf32, #tpu.memory_space<vmem>>, vector<16xf32>,
      %scan3A_87 = arith.constant 0 : i32
      %scan3A_88 = arith.constant 1 : i32
      %scan3A_89 = arith.addi %scan3A_82, %scan3A_88 : i32
      %mul3A_90 = arith.constant 16 : i32
      %mul3A_91 = arith.muli %scan3A_89, %mul3A_90 : i32
      %swap3A_92 = arith.index_cast %mul3A_91 : i32 to index
      %swap3A_93 = tpu.vector_load %arg9[%swap3A_92] {strides = array<i32>} : memref<40960xf32, #tpu.memory_space<vmem>>, vector<16xf32>,
      tpu.vector_store %arg9[%swap3A_92], %broadcast_in_dim3A_1 {strides = array<i32>} : memref<40960xf32, #tpu.memory_space<vmem>>, vector<16xf32>,
      %scan3A_94 = arith.constant 0 : i32
      %scan3A_95 = arith.constant 2 : i32
      %scan3A_96 = arith.addi %scan3A_82, %scan3A_95 : i32
      %mul3A_97 = arith.constant 16 : i32
      %mul3A_98 = arith.muli %scan3A_96, %mul3A_97 : i32
      %swap3A_99 = arith.index_cast %mul3A_98 : i32 to index
      %swap3A_100 = tpu.vector_load %arg9[%swap3A_99] {strides = array<i32>} : memref<40960xf32, #tpu.memory_space<vmem>>, vector<16xf32>,
      tpu.vector_store %arg9[%swap3A_99], %broadcast_in_dim3A_1 {strides = array<i32>} : memref<40960xf32, #tpu.memory_space<vmem>>, vector<16xf32>,
      %scan3A_101 = arith.constant 0 : i32
      %scan3A_102 = arith.constant 3 : i32
      %scan3A_103 = arith.addi %scan3A_82, %scan3A_102 : i32
      %mul3A_104 = arith.constant 16 : i32
      %mul3A_105 = arith.muli %scan3A_103, %mul3A_104 : i32
      %swap3A_106 = arith.index_cast %mul3A_105 : i32 to index
      %swap3A_107 = tpu.vector_load %arg9[%swap3A_106] {strides = array<i32>} : memref<40960xf32, #tpu.memory_space<vmem>>, vector<16xf32>,
      tpu.vector_store %arg9[%swap3A_106], %broadcast_in_dim3A_1 {strides = array<i32>} : memref<40960xf32, #tpu.memory_space<vmem>>, vector<16xf32>,
      %scan3A_108 = arith.constant 0 : i32
      scf.yield %scan3A_108 : i32
    }
    %scan3A_7 = arith.constant 2560 : i32
    %dma_start3A = arith.constant 0 : i32
    %dma_start3A_8 = arith.constant 0 : i32
    %dma_start3A_9 = arith.constant 0 : i32
    %dma_start3A_10 = tpu.memref_slice %arg6[%dma_start3A, %dma_start3A_9] : memref<2x2048xi32, #tpu.memory_space<vmem>> -> memref<1x2048xi32, #tpu.memory_space<vmem>>
    %dma_start3A_11 = tpu.memref_squeeze %dma_start3A_10 : memref<1x2048xi32, #tpu.memory_space<vmem>> -> memref<2048xi32, #tpu.memory_space<vmem>>
    %dma_start3A_12 = arith.constant 0 : i32
    %dma_start3A_13 = tpu.memref_slice %arg3[%dma_start3A_12] : memref<327680xi32, #tpu.memory_space<hbm>> -> memref<2048xi32, #tpu.memory_space<hbm>>
    %dma_start3A_14 = tpu.memref_slice %arg10[%dma_start3A_8] : memref<2x!tpu.dma_semaphore, #tpu.memory_space<semaphore_mem>> -> memref<1x!tpu.dma_semaphore, #tpu.memory_space<semaphore_mem>>
    %dma_start3A_15 = tpu.memref_squeeze %dma_start3A_14 : memref<1x!tpu.dma_semaphore, #tpu.memory_space<semaphore_mem>> -> memref<!tpu.dma_semaphore, #tpu.memory_space<semaphore_mem>>
    %dma_start3A_16 = arith.constant 0 : i32
    %dma_start3A_17 = tpu.memref_slice %arg6[%dma_start3A, %dma_start3A_16] : memref<2x2048xi32, #tpu.memory_space<vmem>> -> memref<1x2048xi32, #tpu.memory_space<vmem>>
    %dma_start3A_18 = tpu.memref_squeeze %dma_start3A_17 : memref<1x2048xi32, #tpu.memory_space<vmem>> -> memref<2048xi32, #tpu.memory_space<vmem>>
    %dma_start3A_19 = arith.constant 0 : i32
    %dma_start3A_20 = tpu.memref_slice %arg3[%dma_start3A_19] : memref<327680xi32, #tpu.memory_space<hbm>> -> memref<2048xi32, #tpu.memory_space<hbm>>
    tpu.enqueue_dma source(%dma_start3A_20 : memref<2048xi32, #tpu.memory_space<hbm>>) target(%dma_start3A_18 : memref<2048xi32, #tpu.memory_space<vmem>>) target_semaphore(%dma_start3A_15 : memref<!tpu.dma_semaphore, #tpu.memory_space<semaphore_mem>>)
    %dma_start3A_21 = arith.constant 0 : i32
    %dma_start3A_22 = arith.constant 0 : i32
    %dma_start3A_23 = arith.constant 0 : i32
    %dma_start3A_24 = arith.constant 0 : i32
    %dma_start3A_25 = tpu.memref_slice %arg7[%dma_start3A_21, %dma_start3A_23, %dma_start3A_24] : memref<2x4x1024xi32, #tpu.memory_space<vmem>> -> memref<1x4x1024xi32, #tpu.memory_space<vmem>>
    %dma_start3A_26 = tpu.memref_squeeze %dma_start3A_25 : memref<1x4x1024xi32, #tpu.memory_space<vmem>> -> memref<4x1024xi32, #tpu.memory_space<vmem>>
    %dma_start3A_27 = arith.constant 0 : i32
    %dma_start3A_28 = arith.constant 0 : i32
    %dma_start3A_29 = tpu.memref_slice %arg4[%add3A, %dma_start3A_27, %dma_start3A_28] : memref<32x4x163840xi32, #tpu.memory_space<hbm>> -> memref<1x4x1024xi32, #tpu.memory_space<hbm>>
    %dma_start3A_30 = tpu.memref_squeeze %dma_start3A_29 : memref<1x4x1024xi32, #tpu.memory_space<hbm>> -> memref<4x1024xi32, #tpu.memory_space<hbm>>
    %dma_start3A_31 = tpu.memref_slice %arg11[%dma_start3A_22] : memref<2x!tpu.dma_semaphore, #tpu.memory_space<semaphore_mem>> -> memref<1x!tpu.dma_semaphore, #tpu.memory_space<semaphore_mem>>
    %dma_start3A_32 = tpu.memref_squeeze %dma_start3A_31 : memref<1x!tpu.dma_semaphore, #tpu.memory_space<semaphore_mem>> -> memref<!tpu.dma_semaphore, #tpu.memory_space<semaphore_mem>>
    %dma_start3A_33 = arith.constant 0 : i32
    %dma_start3A_34 = arith.constant 0 : i32
    %dma_start3A_35 = tpu.memref_slice %arg7[%dma_start3A_21, %dma_start3A_33, %dma_start3A_34] : memref<2x4x1024xi32, #tpu.memory_space<vmem>> -> memref<1x4x1024xi32, #tpu.memory_space<vmem>>
    %dma_start3A_36 = tpu.memref_squeeze %dma_start3A_35 : memref<1x4x1024xi32, #tpu.memory_space<vmem>> -> memref<4x1024xi32, #tpu.memory_space<vmem>>
    %dma_start3A_37 = arith.constant 0 : i32
    %dma_start3A_38 = arith.constant 0 : i32
    %dma_start3A_39 = tpu.memref_slice %arg4[%add3A, %dma_start3A_37, %dma_start3A_38] : memref<32x4x163840xi32, #tpu.memory_space<hbm>> -> memref<1x4x1024xi32, #tpu.memory_space<hbm>>
    %dma_start3A_40 = tpu.memref_squeeze %dma_start3A_39 : memref<1x4x1024xi32, #tpu.memory_space<hbm>> -> memref<4x1024xi32, #tpu.memory_space<hbm>>
    tpu.enqueue_dma source(%dma_start3A_40 : memref<4x1024xi32, #tpu.memory_space<hbm>>) target(%dma_start3A_36 : memref<4x1024xi32, #tpu.memory_space<vmem>>) target_semaphore(%dma_start3A_32 : memref<!tpu.dma_semaphore, #tpu.memory_space<semaphore_mem>>)
    %dma_start3A_41 = arith.constant 1 : i32
    %dma_start3A_42 = arith.constant 1 : i32
    %dma_start3A_43 = arith.constant 0 : i32
    %dma_start3A_44 = tpu.memref_slice %arg6[%dma_start3A_41, %dma_start3A_43] : memref<2x2048xi32, #tpu.memory_space<vmem>> -> memref<1x2048xi32, #tpu.memory_space<vmem>>
    %dma_start3A_45 = tpu.memref_squeeze %dma_start3A_44 : memref<1x2048xi32, #tpu.memory_space<vmem>> -> memref<2048xi32, #tpu.memory_space<vmem>>
    %dma_start3A_46 = arith.constant 2048 : i32
    %dma_start3A_47 = tpu.memref_slice %arg3[%dma_start3A_46] : memref<327680xi32, #tpu.memory_space<hbm>> -> memref<2048xi32, #tpu.memory_space<hbm>>
    %dma_start3A_48 = tpu.memref_slice %arg10[%dma_start3A_42] : memref<2x!tpu.dma_semaphore, #tpu.memory_space<semaphore_mem>> -> memref<1x!tpu.dma_semaphore, #tpu.memory_space<semaphore_mem>>
    %dma_start3A_49 = tpu.memref_squeeze %dma_start3A_48 : memref<1x!tpu.dma_semaphore, #tpu.memory_space<semaphore_mem>> -> memref<!tpu.dma_semaphore, #tpu.memory_space<semaphore_mem>>
    %dma_start3A_50 = arith.constant 0 : i32
    %dma_start3A_51 = tpu.memref_slice %arg6[%dma_start3A_41, %dma_start3A_50] : memref<2x2048xi32, #tpu.memory_space<vmem>> -> memref<1x2048xi32, #tpu.memory_space<vmem>>
    %dma_start3A_52 = tpu.memref_squeeze %dma_start3A_51 : memref<1x2048xi32, #tpu.memory_space<vmem>> -> memref<2048xi32, #tpu.memory_space<vmem>>
    %dma_start3A_53 = arith.constant 2048 : i32
    %dma_start3A_54 = tpu.memref_slice %arg3[%dma_start3A_53] : memref<327680xi32, #tpu.memory_space<hbm>> -> memref<2048xi32, #tpu.memory_space<hbm>>
    tpu.enqueue_dma source(%dma_start3A_54 : memref<2048xi32, #tpu.memory_space<hbm>>) target(%dma_start3A_52 : memref<2048xi32, #tpu.memory_space<vmem>>) target_semaphore(%dma_start3A_49 : memref<!tpu.dma_semaphore, #tpu.memory_space<semaphore_mem>>)
    %dma_start3A_55 = arith.constant 1 : i32
    %dma_start3A_56 = arith.constant 1 : i32
    %dma_start3A_57 = arith.constant 0 : i32
    %dma_start3A_58 = arith.constant 0 : i32
    %dma_start3A_59 = tpu.memref_slice %arg7[%dma_start3A_55, %dma_start3A_57, %dma_start3A_58] : memref<2x4x1024xi32, #tpu.memory_space<vmem>> -> memref<1x4x1024xi32, #tpu.memory_space<vmem>>
    %dma_start3A_60 = tpu.memref_squeeze %dma_start3A_59 : memref<1x4x1024xi32, #tpu.memory_space<vmem>> -> memref<4x1024xi32, #tpu.memory_space<vmem>>
    %dma_start3A_61 = arith.constant 0 : i32
    %dma_start3A_62 = arith.constant 1024 : i32
    %dma_start3A_63 = tpu.memref_slice %arg4[%add3A, %dma_start3A_61, %dma_start3A_62] : memref<32x4x163840xi32, #tpu.memory_space<hbm>> -> memref<1x4x1024xi32, #tpu.memory_space<hbm>>
    %dma_start3A_64 = tpu.memref_squeeze %dma_start3A_63 : memref<1x4x1024xi32, #tpu.memory_space<hbm>> -> memref<4x1024xi32, #tpu.memory_space<hbm>>
    %dma_start3A_65 = tpu.memref_slice %arg11[%dma_start3A_56] : memref<2x!tpu.dma_semaphore, #tpu.memory_space<semaphore_mem>> -> memref<1x!tpu.dma_semaphore, #tpu.memory_space<semaphore_mem>>
    %dma_start3A_66 = tpu.memref_squeeze %dma_start3A_65 : memref<1x!tpu.dma_semaphore, #tpu.memory_space<semaphore_mem>> -> memref<!tpu.dma_semaphore, #tpu.memory_space<semaphore_mem>>
    %dma_start3A_67 = arith.constant 0 : i32
    %dma_start3A_68 = arith.constant 0 : i32
    %dma_start3A_69 = tpu.memref_slice %arg7[%dma_start3A_55, %dma_start3A_67, %dma_start3A_68] : memref<2x4x1024xi32, #tpu.memory_space<vmem>> -> memref<1x4x1024xi32, #tpu.memory_space<vmem>>
    %dma_start3A_70 = tpu.memref_squeeze %dma_start3A_69 : memref<1x4x1024xi32, #tpu.memory_space<vmem>> -> memref<4x1024xi32, #tpu.memory_space<vmem>>
    %dma_start3A_71 = arith.constant 0 : i32
    %dma_start3A_72 = arith.constant 1024 : i32
    %dma_start3A_73 = tpu.memref_slice %arg4[%add3A, %dma_start3A_71, %dma_start3A_72] : memref<32x4x163840xi32, #tpu.memory_space<hbm>> -> memref<1x4x1024xi32, #tpu.memory_space<hbm>>
    %dma_start3A_74 = tpu.memref_squeeze %dma_start3A_73 : memref<1x4x1024xi32, #tpu.memory_space<hbm>> -> memref<4x1024xi32, #tpu.memory_space<hbm>>
    tpu.enqueue_dma source(%dma_start3A_74 : memref<4x1024xi32, #tpu.memory_space<hbm>>) target(%dma_start3A_70 : memref<4x1024xi32, #tpu.memory_space<vmem>>) target_semaphore(%dma_start3A_66 : memref<!tpu.dma_semaphore, #tpu.memory_space<semaphore_mem>>)
    %scan3A_75 = arith.constant 0 : i32
    %scan3A_76 = arith.constant 0 : i32
    %scan3A_77 = arith.constant 80 : i32
    %scan3A_78 = arith.addi %scan3A_76, %scan3A_77 : i32
    %scan3A_79 = arith.constant 1 : i32
    %scan3A_80 = scf.for %scan3A_82 = %scan3A_76 to %scan3A_78 step %scan3A_79 iter_args(%scan3A_83 = %scan3A_75) -> (i32)  : i32 {
      %mul3A_84 = arith.constant 2 : i32
      %mul3A_85 = arith.muli %scan3A_82, %mul3A_84 : i32
      %add3A_86 = arith.constant 0 : i32
      %add3A_87 = arith.addi %mul3A_85, %add3A_86 : i32
      %mul3A_88 = arith.constant 2048 : i32
      %mul3A_89 = arith.muli %add3A_87, %mul3A_88 : i32
      %dma_wait3A = arith.constant 0 : i32
      %dma_wait3A_90 = arith.constant 0 : i32
      %dma_wait3A_91 = arith.constant 0 : i32
      %dma_wait3A_92 = tpu.memref_slice %arg6[%dma_wait3A, %dma_wait3A_91] : memref<2x2048xi32, #tpu.memory_space<vmem>> -> memref<1x2048xi32, #tpu.memory_space<vmem>>
      %dma_wait3A_93 = tpu.memref_squeeze %dma_wait3A_92 : memref<1x2048xi32, #tpu.memory_space<vmem>> -> memref<2048xi32, #tpu.memory_space<vmem>>
      %dma_wait3A_94 = tpu.memref_slice %arg3[%mul3A_89] : memref<327680xi32, #tpu.memory_space<hbm>> -> memref<2048xi32, #tpu.memory_space<hbm>>
      %dma_wait3A_95 = tpu.memref_slice %arg10[%dma_wait3A_90] : memref<2x!tpu.dma_semaphore, #tpu.memory_space<semaphore_mem>> -> memref<1x!tpu.dma_semaphore, #tpu.memory_space<semaphore_mem>>
      %dma_wait3A_96 = tpu.memref_squeeze %dma_wait3A_95 : memref<1x!tpu.dma_semaphore, #tpu.memory_space<semaphore_mem>> -> memref<!tpu.dma_semaphore, #tpu.memory_space<semaphore_mem>>
      %dma_wait3A_97 = arith.constant 0 : i32
      %dma_wait3A_98 = tpu.memref_slice %arg6[%dma_wait3A, %dma_wait3A_97] : memref<2x2048xi32, #tpu.memory_space<vmem>> -> memref<1x2048xi32, #tpu.memory_space<vmem>>
      %dma_wait3A_99 = tpu.memref_squeeze %dma_wait3A_98 : memref<1x2048xi32, #tpu.memory_space<vmem>> -> memref<2048xi32, #tpu.memory_space<vmem>>
      %dma_wait3A_100 = tpu.memref_slice %arg3[%mul3A_89] : memref<327680xi32, #tpu.memory_space<hbm>> -> memref<2048xi32, #tpu.memory_space<hbm>>
      tpu.wait_dma2 semaphore(%dma_wait3A_96 : memref<!tpu.dma_semaphore, #tpu.memory_space<semaphore_mem>>) src(%dma_wait3A_100 : memref<2048xi32, #tpu.memory_space<hbm>>) dst(%dma_wait3A_99 : memref<2048xi32, #tpu.memory_space<vmem>>)
      %mul3A_101 = arith.constant 1024 : i32
      %mul3A_102 = arith.muli %add3A_87, %mul3A_101 : i32
      %dma_wait3A_103 = arith.constant 0 : i32
      %dma_wait3A_104 = arith.constant 0 : i32
      %dma_wait3A_105 = arith.constant 0 : i32
      %dma_wait3A_106 = arith.constant 0 : i32
      %dma_wait3A_107 = tpu.memref_slice %arg7[%dma_wait3A_103, %dma_wait3A_105, %dma_wait3A_106] : memref<2x4x1024xi32, #tpu.memory_space<vmem>> -> memref<1x4x1024xi32, #tpu.memory_space<vmem>>
      %dma_wait3A_108 = tpu.memref_squeeze %dma_wait3A_107 : memref<1x4x1024xi32, #tpu.memory_space<vmem>> -> memref<4x1024xi32, #tpu.memory_space<vmem>>
      %dma_wait3A_109 = arith.constant 0 : i32
      %dma_wait3A_110 = tpu.memref_slice %arg4[%add3A, %dma_wait3A_109, %mul3A_102] : memref<32x4x163840xi32, #tpu.memory_space<hbm>> -> memref<1x4x1024xi32, #tpu.memory_space<hbm>>
      %dma_wait3A_111 = tpu.memref_squeeze %dma_wait3A_110 : memref<1x4x1024xi32, #tpu.memory_space<hbm>> -> memref<4x1024xi32, #tpu.memory_space<hbm>>
      %dma_wait3A_112 = tpu.memref_slice %arg11[%dma_wait3A_104] : memref<2x!tpu.dma_semaphore, #tpu.memory_space<semaphore_mem>> -> memref<1x!tpu.dma_semaphore, #tpu.memory_space<semaphore_mem>>
      %dma_wait3A_113 = tpu.memref_squeeze %dma_wait3A_112 : memref<1x!tpu.dma_semaphore, #tpu.memory_space<semaphore_mem>> -> memref<!tpu.dma_semaphore, #tpu.memory_space<semaphore_mem>>
      %dma_wait3A_114 = arith.constant 0 : i32
      %dma_wait3A_115 = arith.constant 0 : i32
      %dma_wait3A_116 = tpu.memref_slice %arg7[%dma_wait3A_103, %dma_wait3A_114, %dma_wait3A_115] : memref<2x4x1024xi32, #tpu.memory_space<vmem>> -> memref<1x4x1024xi32, #tpu.memory_space<vmem>>
      %dma_wait3A_117 = tpu.memref_squeeze %dma_wait3A_116 : memref<1x4x1024xi32, #tpu.memory_space<vmem>> -> memref<4x1024xi32, #tpu.memory_space<vmem>>
      %dma_wait3A_118 = arith.constant 0 : i32
      %dma_wait3A_119 = tpu.memref_slice %arg4[%add3A, %dma_wait3A_118, %mul3A_102] : memref<32x4x163840xi32, #tpu.memory_space<hbm>> -> memref<1x4x1024xi32, #tpu.memory_space<hbm>>
      %dma_wait3A_120 = tpu.memref_squeeze %dma_wait3A_119 : memref<1x4x1024xi32, #tpu.memory_space<hbm>> -> memref<4x1024xi32, #tpu.memory_space<hbm>>
      tpu.wait_dma2 semaphore(%dma_wait3A_113 : memref<!tpu.dma_semaphore, #tpu.memory_space<semaphore_mem>>) src(%dma_wait3A_120 : memref<4x1024xi32, #tpu.memory_space<hbm>>) dst(%dma_wait3A_117 : memref<4x1024xi32, #tpu.memory_space<vmem>>)
      %parallel_loop3A = arith.constant 0 : i32
      %parallel_loop3A_121 = arith.constant 64 : i32
      %parallel_loop3A_122 = arith.constant 1 : i32
      scf.for %parallel_loop3A_176 = %parallel_loop3A to %parallel_loop3A_121 step %parallel_loop3A_122  : i32 {
        %parallel_loop3A_177 = arith.constant 32 : i32
        %parallel_loop3A_178 = arith.muli %parallel_loop3A_176, %parallel_loop3A_177 : i32
        %parallel_loop3A_179 = arith.constant 0 : i32
        %parallel_loop3A_180 = arith.index_cast %parallel_loop3A_179 : i32 to index
        %parallel_loop3A_181 = arith.index_cast %parallel_loop3A_178 : i32 to index
        %parallel_loop3A_182 = tpu.vector_load %arg6[%parallel_loop3A_180, %parallel_loop3A_181] {strides = array<i32>} : memref<2x2048xi32, #tpu.memory_space<vmem>>, vector<16xi32>,
        %parallel_loop3A_183 = arith.constant 32 : i32
        %parallel_loop3A_184 = arith.muli %parallel_loop3A_176, %parallel_loop3A_183 : i32
        %parallel_loop3A_185 = arith.constant 16 : i32
        %parallel_loop3A_186 = arith.addi %parallel_loop3A_184, %parallel_loop3A_185 : i32
        %parallel_loop3A_187 = arith.constant 0 : i32
        %parallel_loop3A_188 = arith.index_cast %parallel_loop3A_187 : i32 to index
        %parallel_loop3A_189 = arith.index_cast %parallel_loop3A_186 : i32 to index
        %parallel_loop3A_190 = tpu.vector_load %arg6[%parallel_loop3A_188, %parallel_loop3A_189] {strides = array<i32>} : memref<2x2048xi32, #tpu.memory_space<vmem>>, vector<16xi32>,
        %parallel_loop3A_191 = arith.constant 65535 : i32
        %parallel_loop3A_192 = vector.broadcast %parallel_loop3A_191 : i32 to vector<16xi32>
        %parallel_loop3A_193 = arith.andi %parallel_loop3A_182, %parallel_loop3A_192 : vector<16xi32>
        %parallel_loop3A_194 = arith.constant 16 : i32
        %parallel_loop3A_195 = vector.broadcast %parallel_loop3A_194 : i32 to vector<16xi32>
        %parallel_loop3A_196 = arith.shrui %parallel_loop3A_182, %parallel_loop3A_195 : vector<16xi32>
        %parallel_loop3A_197 = arith.constant 65535 : i32
        %parallel_loop3A_198 = vector.broadcast %parallel_loop3A_197 : i32 to vector<16xi32>
        %parallel_loop3A_199 = arith.andi %parallel_loop3A_190, %parallel_loop3A_198 : vector<16xi32>
        %parallel_loop3A_200 = arith.constant 16 : i32
        %parallel_loop3A_201 = vector.broadcast %parallel_loop3A_200 : i32 to vector<16xi32>
        %parallel_loop3A_202 = arith.shrui %parallel_loop3A_190, %parallel_loop3A_201 : vector<16xi32>
        %parallel_loop3A_203 = arith.constant 16 : i32
        %parallel_loop3A_204 = arith.muli %parallel_loop3A_176, %parallel_loop3A_203 : i32
        %parallel_loop3A_205 = arith.constant 0 : i32
        %parallel_loop3A_206 = arith.constant 0 : i32
        %parallel_loop3A_207 = arith.index_cast %parallel_loop3A_205 : i32 to index
        %parallel_loop3A_208 = arith.index_cast %parallel_loop3A_206 : i32 to index
        %parallel_loop3A_209 = arith.index_cast %parallel_loop3A_204 : i32 to index
        %parallel_loop3A_210 = tpu.vector_load %arg7[%parallel_loop3A_207, %parallel_loop3A_208, %parallel_loop3A_209] {strides = array<i32>} : memref<2x4x1024xi32, #tpu.memory_space<vmem>>, vector<16xi32>,
        %parallel_loop3A_211 = arith.constant 16 : i32
        %parallel_loop3A_212 = vector.broadcast %parallel_loop3A_211 : i32 to vector<16xi32>
        %parallel_loop3A_213 = arith.shli %parallel_loop3A_210, %parallel_loop3A_212 : vector<16xi32>
        %parallel_loop3A_214 = tpu.bitcast %parallel_loop3A_213 : vector<16xi32> -> vector<16xf32>
        %parallel_loop3A_215 = arith.constant -65536 : i32
        %parallel_loop3A_216 = vector.broadcast %parallel_loop3A_215 : i32 to vector<16xi32>
        %parallel_loop3A_217 = arith.andi %parallel_loop3A_210, %parallel_loop3A_216 : vector<16xi32>
        %parallel_loop3A_218 = tpu.bitcast %parallel_loop3A_217 : vector<16xi32> -> vector<16xf32>
        %parallel_loop3A_219 = arith.constant 0 : i32
        %parallel_loop3A_220 = vector.broadcast %parallel_loop3A_219 : i32 to vector<16xi32>
        %parallel_loop3A_221 = arith.addi %parallel_loop3A_193, %parallel_loop3A_220 : vector<16xi32>
        %parallel_loop3A_222 = tpu.vector_load_idx %arg8[%parallel_loop3A_221] : memref<40960xf32, #tpu.memory_space<vmem>>[vector<16xi32>], vector<16xf32>,
        %parallel_loop3A_223 = arith.constant 0 : i32
        %parallel_loop3A_224 = vector.broadcast %parallel_loop3A_223 : i32 to vector<16xi32>
        %parallel_loop3A_225 = arith.addi %parallel_loop3A_199, %parallel_loop3A_224 : vector<16xi32>
        %parallel_loop3A_226 = tpu.vector_load_idx %arg8[%parallel_loop3A_225] : memref<40960xf32, #tpu.memory_space<vmem>>[vector<16xi32>], vector<16xf32>,
        %parallel_loop3A_227 = arith.constant 0 : i32
        %parallel_loop3A_228 = vector.broadcast %parallel_loop3A_227 : i32 to vector<16xi32>
        %parallel_loop3A_229 = arith.addi %parallel_loop3A_196, %parallel_loop3A_228 : vector<16xi32>
        %parallel_loop3A_230 = arith.mulf %parallel_loop3A_222, %parallel_loop3A_214 : vector<16xf32>
        tpu.vector_store_idx %arg9[%parallel_loop3A_229], %parallel_loop3A_230 {add = true} : memref<40960xf32, #tpu.memory_space<vmem>>[vector<16xi32>], vector<16xf32>,
        %parallel_loop3A_231 = arith.constant 0 : i32
        %parallel_loop3A_232 = vector.broadcast %parallel_loop3A_231 : i32 to vector<16xi32>
        %parallel_loop3A_233 = arith.addi %parallel_loop3A_202, %parallel_loop3A_232 : vector<16xi32>
        %parallel_loop3A_234 = arith.mulf %parallel_loop3A_226, %parallel_loop3A_218 : vector<16xf32>
        tpu.vector_store_idx %arg9[%parallel_loop3A_233], %parallel_loop3A_234 {add = true} : memref<40960xf32, #tpu.memory_space<vmem>>[vector<16xi32>], vector<16xf32>,
        %parallel_loop3A_235 = arith.constant 16 : i32
        %parallel_loop3A_236 = arith.muli %parallel_loop3A_176, %parallel_loop3A_235 : i32
        %parallel_loop3A_237 = arith.constant 0 : i32
        %parallel_loop3A_238 = arith.constant 1 : i32
        %parallel_loop3A_239 = arith.index_cast %parallel_loop3A_237 : i32 to index
        %parallel_loop3A_240 = arith.index_cast %parallel_loop3A_238 : i32 to index
        %parallel_loop3A_241 = arith.index_cast %parallel_loop3A_236 : i32 to index
        %parallel_loop3A_242 = tpu.vector_load %arg7[%parallel_loop3A_239, %parallel_loop3A_240, %parallel_loop3A_241] {strides = array<i32>} : memref<2x4x1024xi32, #tpu.memory_space<vmem>>, vector<16xi32>,
        %parallel_loop3A_243 = arith.constant 16 : i32
        %parallel_loop3A_244 = vector.broadcast %parallel_loop3A_243 : i32 to vector<16xi32>
        %parallel_loop3A_245 = arith.shli %parallel_loop3A_242, %parallel_loop3A_244 : vector<16xi32>
        %parallel_loop3A_246 = tpu.bitcast %parallel_loop3A_245 : vector<16xi32> -> vector<16xf32>
        %parallel_loop3A_247 = arith.constant -65536 : i32
        %parallel_loop3A_248 = vector.broadcast %parallel_loop3A_247 : i32 to vector<16xi32>
        %parallel_loop3A_249 = arith.andi %parallel_loop3A_242, %parallel_loop3A_248 : vector<16xi32>
        %parallel_loop3A_250 = tpu.bitcast %parallel_loop3A_249 : vector<16xi32> -> vector<16xf32>
        %parallel_loop3A_251 = arith.constant 10240 : i32
        %parallel_loop3A_252 = vector.broadcast %parallel_loop3A_251 : i32 to vector<16xi32>
        %parallel_loop3A_253 = arith.addi %parallel_loop3A_193, %parallel_loop3A_252 : vector<16xi32>
        %parallel_loop3A_254 = tpu.vector_load_idx %arg8[%parallel_loop3A_253] : memref<40960xf32, #tpu.memory_space<vmem>>[vector<16xi32>], vector<16xf32>,
        %parallel_loop3A_255 = arith.constant 10240 : i32
        %parallel_loop3A_256 = vector.broadcast %parallel_loop3A_255 : i32 to vector<16xi32>
        %parallel_loop3A_257 = arith.addi %parallel_loop3A_199, %parallel_loop3A_256 : vector<16xi32>
        %parallel_loop3A_258 = tpu.vector_load_idx %arg8[%parallel_loop3A_257] : memref<40960xf32, #tpu.memory_space<vmem>>[vector<16xi32>], vector<16xf32>,
        %parallel_loop3A_259 = arith.constant 10240 : i32
        %parallel_loop3A_260 = vector.broadcast %parallel_loop3A_259 : i32 to vector<16xi32>
        %parallel_loop3A_261 = arith.addi %parallel_loop3A_196, %parallel_loop3A_260 : vector<16xi32>
        %parallel_loop3A_262 = arith.mulf %parallel_loop3A_254, %parallel_loop3A_246 : vector<16xf32>
        tpu.vector_store_idx %arg9[%parallel_loop3A_261], %parallel_loop3A_262 {add = true} : memref<40960xf32, #tpu.memory_space<vmem>>[vector<16xi32>], vector<16xf32>,
        %parallel_loop3A_263 = arith.constant 10240 : i32
        %parallel_loop3A_264 = vector.broadcast %parallel_loop3A_263 : i32 to vector<16xi32>
        %parallel_loop3A_265 = arith.addi %parallel_loop3A_202, %parallel_loop3A_264 : vector<16xi32>
        %parallel_loop3A_266 = arith.mulf %parallel_loop3A_258, %parallel_loop3A_250 : vector<16xf32>
        tpu.vector_store_idx %arg9[%parallel_loop3A_265], %parallel_loop3A_266 {add = true} : memref<40960xf32, #tpu.memory_space<vmem>>[vector<16xi32>], vector<16xf32>,
        %parallel_loop3A_267 = arith.constant 16 : i32
        %parallel_loop3A_268 = arith.muli %parallel_loop3A_176, %parallel_loop3A_267 : i32
        %parallel_loop3A_269 = arith.constant 0 : i32
        %parallel_loop3A_270 = arith.constant 2 : i32
        %parallel_loop3A_271 = arith.index_cast %parallel_loop3A_269 : i32 to index
        %parallel_loop3A_272 = arith.index_cast %parallel_loop3A_270 : i32 to index
        %parallel_loop3A_273 = arith.index_cast %parallel_loop3A_268 : i32 to index
        %parallel_loop3A_274 = tpu.vector_load %arg7[%parallel_loop3A_271, %parallel_loop3A_272, %parallel_loop3A_273] {strides = array<i32>} : memref<2x4x1024xi32, #tpu.memory_space<vmem>>, vector<16xi32>,
        %parallel_loop3A_275 = arith.constant 16 : i32
        %parallel_loop3A_276 = vector.broadcast %parallel_loop3A_275 : i32 to vector<16xi32>
        %parallel_loop3A_277 = arith.shli %parallel_loop3A_274, %parallel_loop3A_276 : vector<16xi32>
        %parallel_loop3A_278 = tpu.bitcast %parallel_loop3A_277 : vector<16xi32> -> vector<16xf32>
        %parallel_loop3A_279 = arith.constant -65536 : i32
        %parallel_loop3A_280 = vector.broadcast %parallel_loop3A_279 : i32 to vector<16xi32>
        %parallel_loop3A_281 = arith.andi %parallel_loop3A_274, %parallel_loop3A_280 : vector<16xi32>
        %parallel_loop3A_282 = tpu.bitcast %parallel_loop3A_281 : vector<16xi32> -> vector<16xf32>
        %parallel_loop3A_283 = arith.constant 20480 : i32
        %parallel_loop3A_284 = vector.broadcast %parallel_loop3A_283 : i32 to vector<16xi32>
        %parallel_loop3A_285 = arith.addi %parallel_loop3A_193, %parallel_loop3A_284 : vector<16xi32>
        %parallel_loop3A_286 = tpu.vector_load_idx %arg8[%parallel_loop3A_285] : memref<40960xf32, #tpu.memory_space<vmem>>[vector<16xi32>], vector<16xf32>,
        %parallel_loop3A_287 = arith.constant 20480 : i32
        %parallel_loop3A_288 = vector.broadcast %parallel_loop3A_287 : i32 to vector<16xi32>
        %parallel_loop3A_289 = arith.addi %parallel_loop3A_199, %parallel_loop3A_288 : vector<16xi32>
        %parallel_loop3A_290 = tpu.vector_load_idx %arg8[%parallel_loop3A_289] : memref<40960xf32, #tpu.memory_space<vmem>>[vector<16xi32>], vector<16xf32>,
        %parallel_loop3A_291 = arith.constant 20480 : i32
        %parallel_loop3A_292 = vector.broadcast %parallel_loop3A_291 : i32 to vector<16xi32>
        %parallel_loop3A_293 = arith.addi %parallel_loop3A_196, %parallel_loop3A_292 : vector<16xi32>
        %parallel_loop3A_294 = arith.mulf %parallel_loop3A_286, %parallel_loop3A_278 : vector<16xf32>
        tpu.vector_store_idx %arg9[%parallel_loop3A_293], %parallel_loop3A_294 {add = true} : memref<40960xf32, #tpu.memory_space<vmem>>[vector<16xi32>], vector<16xf32>,
        %parallel_loop3A_295 = arith.constant 20480 : i32
        %parallel_loop3A_296 = vector.broadcast %parallel_loop3A_295 : i32 to vector<16xi32>
        %parallel_loop3A_297 = arith.addi %parallel_loop3A_202, %parallel_loop3A_296 : vector<16xi32>
        %parallel_loop3A_298 = arith.mulf %parallel_loop3A_290, %parallel_loop3A_282 : vector<16xf32>
        tpu.vector_store_idx %arg9[%parallel_loop3A_297], %parallel_loop3A_298 {add = true} : memref<40960xf32, #tpu.memory_space<vmem>>[vector<16xi32>], vector<16xf32>,
        %parallel_loop3A_299 = arith.constant 16 : i32
        %parallel_loop3A_300 = arith.muli %parallel_loop3A_176, %parallel_loop3A_299 : i32
        %parallel_loop3A_301 = arith.constant 0 : i32
        %parallel_loop3A_302 = arith.constant 3 : i32
        %parallel_loop3A_303 = arith.index_cast %parallel_loop3A_301 : i32 to index
        %parallel_loop3A_304 = arith.index_cast %parallel_loop3A_302 : i32 to index
        %parallel_loop3A_305 = arith.index_cast %parallel_loop3A_300 : i32 to index
        %parallel_loop3A_306 = tpu.vector_load %arg7[%parallel_loop3A_303, %parallel_loop3A_304, %parallel_loop3A_305] {strides = array<i32>} : memref<2x4x1024xi32, #tpu.memory_space<vmem>>, vector<16xi32>,
        %parallel_loop3A_307 = arith.constant 16 : i32
        %parallel_loop3A_308 = vector.broadcast %parallel_loop3A_307 : i32 to vector<16xi32>
        %parallel_loop3A_309 = arith.shli %parallel_loop3A_306, %parallel_loop3A_308 : vector<16xi32>
        %parallel_loop3A_310 = tpu.bitcast %parallel_loop3A_309 : vector<16xi32> -> vector<16xf32>
        %parallel_loop3A_311 = arith.constant -65536 : i32
        %parallel_loop3A_312 = vector.broadcast %parallel_loop3A_311 : i32 to vector<16xi32>
        %parallel_loop3A_313 = arith.andi %parallel_loop3A_306, %parallel_loop3A_312 : vector<16xi32>
        %parallel_loop3A_314 = tpu.bitcast %parallel_loop3A_313 : vector<16xi32> -> vector<16xf32>
        %parallel_loop3A_315 = arith.constant 30720 : i32
        %parallel_loop3A_316 = vector.broadcast %parallel_loop3A_315 : i32 to vector<16xi32>
        %parallel_loop3A_317 = arith.addi %parallel_loop3A_193, %parallel_loop3A_316 : vector<16xi32>
        %parallel_loop3A_318 = tpu.vector_load_idx %arg8[%parallel_loop3A_317] : memref<40960xf32, #tpu.memory_space<vmem>>[vector<16xi32>], vector<16xf32>,
        %parallel_loop3A_319 = arith.constant 30720 : i32
        %parallel_loop3A_320 = vector.broadcast %parallel_loop3A_319 : i32 to vector<16xi32>
        %parallel_loop3A_321 = arith.addi %parallel_loop3A_199, %parallel_loop3A_320 : vector<16xi32>
        %parallel_loop3A_322 = tpu.vector_load_idx %arg8[%parallel_loop3A_321] : memref<40960xf32, #tpu.memory_space<vmem>>[vector<16xi32>], vector<16xf32>,
        %parallel_loop3A_323 = arith.constant 30720 : i32
        %parallel_loop3A_324 = vector.broadcast %parallel_loop3A_323 : i32 to vector<16xi32>
        %parallel_loop3A_325 = arith.addi %parallel_loop3A_196, %parallel_loop3A_324 : vector<16xi32>
        %parallel_loop3A_326 = arith.mulf %parallel_loop3A_318, %parallel_loop3A_310 : vector<16xf32>
        tpu.vector_store_idx %arg9[%parallel_loop3A_325], %parallel_loop3A_326 {add = true} : memref<40960xf32, #tpu.memory_space<vmem>>[vector<16xi32>], vector<16xf32>,
        %parallel_loop3A_327 = arith.constant 30720 : i32
        %parallel_loop3A_328 = vector.broadcast %parallel_loop3A_327 : i32 to vector<16xi32>
        %parallel_loop3A_329 = arith.addi %parallel_loop3A_202, %parallel_loop3A_328 : vector<16xi32>
        %parallel_loop3A_330 = arith.mulf %parallel_loop3A_322, %parallel_loop3A_314 : vector<16xf32>
        tpu.vector_store_idx %arg9[%parallel_loop3A_329], %parallel_loop3A_330 {add = true} : memref<40960xf32, #tpu.memory_space<vmem>>[vector<16xi32>], vector<16xf32>,
      } {sc.loop_unroll_factor = 4 : i64, sc.parallel_access}
      %add3A_123 = arith.constant 2 : i32
      %add3A_124 = arith.addi %add3A_87, %add3A_123 : i32
      %lt3A = arith.constant 160 : i32
      %lt3A_125 = arith.cmpi slt, %add3A_124, %lt3A : i32
      %convert_element_type3A = arith.extui %lt3A_125 : i1 to i32
      %cond3A = arith.constant 0 : i32
      %cond3A_126 = arith.cmpi ne, %convert_element_type3A, %cond3A : i32
      scf.if %cond3A_126 {
        %add3A_176 = arith.constant 2 : i32
        %add3A_177 = arith.addi %add3A_87, %add3A_176 : i32
        %mul3A_178 = arith.constant 2048 : i32
        %mul3A_179 = arith.muli %add3A_177, %mul3A_178 : i32
        %dma_start3A_180 = arith.constant 0 : i32
        %dma_start3A_181 = arith.constant 0 : i32
        %dma_start3A_182 = arith.constant 0 : i32
        %dma_start3A_183 = tpu.memref_slice %arg6[%dma_start3A_180, %dma_start3A_182] : memref<2x2048xi32, #tpu.memory_space<vmem>> -> memref<1x2048xi32, #tpu.memory_space<vmem>>
        %dma_start3A_184 = tpu.memref_squeeze %dma_start3A_183 : memref<1x2048xi32, #tpu.memory_space<vmem>> -> memref<2048xi32, #tpu.memory_space<vmem>>
        %dma_start3A_185 = tpu.memref_slice %arg3[%mul3A_179] : memref<327680xi32, #tpu.memory_space<hbm>> -> memref<2048xi32, #tpu.memory_space<hbm>>
        %dma_start3A_186 = tpu.memref_slice %arg10[%dma_start3A_181] : memref<2x!tpu.dma_semaphore, #tpu.memory_space<semaphore_mem>> -> memref<1x!tpu.dma_semaphore, #tpu.memory_space<semaphore_mem>>
        %dma_start3A_187 = tpu.memref_squeeze %dma_start3A_186 : memref<1x!tpu.dma_semaphore, #tpu.memory_space<semaphore_mem>> -> memref<!tpu.dma_semaphore, #tpu.memory_space<semaphore_mem>>
        %dma_start3A_188 = arith.constant 0 : i32
        %dma_start3A_189 = tpu.memref_slice %arg6[%dma_start3A_180, %dma_start3A_188] : memref<2x2048xi32, #tpu.memory_space<vmem>> -> memref<1x2048xi32, #tpu.memory_space<vmem>>
        %dma_start3A_190 = tpu.memref_squeeze %dma_start3A_189 : memref<1x2048xi32, #tpu.memory_space<vmem>> -> memref<2048xi32, #tpu.memory_space<vmem>>
        %dma_start3A_191 = tpu.memref_slice %arg3[%mul3A_179] : memref<327680xi32, #tpu.memory_space<hbm>> -> memref<2048xi32, #tpu.memory_space<hbm>>
        tpu.enqueue_dma source(%dma_start3A_191 : memref<2048xi32, #tpu.memory_space<hbm>>) target(%dma_start3A_190 : memref<2048xi32, #tpu.memory_space<vmem>>) target_semaphore(%dma_start3A_187 : memref<!tpu.dma_semaphore, #tpu.memory_space<semaphore_mem>>)
        %mul3A_192 = arith.constant 1024 : i32
        %mul3A_193 = arith.muli %add3A_177, %mul3A_192 : i32
        %dma_start3A_194 = arith.constant 0 : i32
        %dma_start3A_195 = arith.constant 0 : i32
        %dma_start3A_196 = arith.constant 0 : i32
        %dma_start3A_197 = arith.constant 0 : i32
        %dma_start3A_198 = tpu.memref_slice %arg7[%dma_start3A_194, %dma_start3A_196, %dma_start3A_197] : memref<2x4x1024xi32, #tpu.memory_space<vmem>> -> memref<1x4x1024xi32, #tpu.memory_space<vmem>>
        %dma_start3A_199 = tpu.memref_squeeze %dma_start3A_198 : memref<1x4x1024xi32, #tpu.memory_space<vmem>> -> memref<4x1024xi32, #tpu.memory_space<vmem>>
        %dma_start3A_200 = arith.constant 0 : i32
        %dma_start3A_201 = tpu.memref_slice %arg4[%add3A, %dma_start3A_200, %mul3A_193] : memref<32x4x163840xi32, #tpu.memory_space<hbm>> -> memref<1x4x1024xi32, #tpu.memory_space<hbm>>
        %dma_start3A_202 = tpu.memref_squeeze %dma_start3A_201 : memref<1x4x1024xi32, #tpu.memory_space<hbm>> -> memref<4x1024xi32, #tpu.memory_space<hbm>>
        %dma_start3A_203 = tpu.memref_slice %arg11[%dma_start3A_195] : memref<2x!tpu.dma_semaphore, #tpu.memory_space<semaphore_mem>> -> memref<1x!tpu.dma_semaphore, #tpu.memory_space<semaphore_mem>>
        %dma_start3A_204 = tpu.memref_squeeze %dma_start3A_203 : memref<1x!tpu.dma_semaphore, #tpu.memory_space<semaphore_mem>> -> memref<!tpu.dma_semaphore, #tpu.memory_space<semaphore_mem>>
        %dma_start3A_205 = arith.constant 0 : i32
        %dma_start3A_206 = arith.constant 0 : i32
        %dma_start3A_207 = tpu.memref_slice %arg7[%dma_start3A_194, %dma_start3A_205, %dma_start3A_206] : memref<2x4x1024xi32, #tpu.memory_space<vmem>> -> memref<1x4x1024xi32, #tpu.memory_space<vmem>>
        %dma_start3A_208 = tpu.memref_squeeze %dma_start3A_207 : memref<1x4x1024xi32, #tpu.memory_space<vmem>> -> memref<4x1024xi32, #tpu.memory_space<vmem>>
        %dma_start3A_209 = arith.constant 0 : i32
        %dma_start3A_210 = tpu.memref_slice %arg4[%add3A, %dma_start3A_209, %mul3A_193] : memref<32x4x163840xi32, #tpu.memory_space<hbm>> -> memref<1x4x1024xi32, #tpu.memory_space<hbm>>
        %dma_start3A_211 = tpu.memref_squeeze %dma_start3A_210 : memref<1x4x1024xi32, #tpu.memory_space<hbm>> -> memref<4x1024xi32, #tpu.memory_space<hbm>>
        tpu.enqueue_dma source(%dma_start3A_211 : memref<4x1024xi32, #tpu.memory_space<hbm>>) target(%dma_start3A_208 : memref<4x1024xi32, #tpu.memory_space<vmem>>) target_semaphore(%dma_start3A_204 : memref<!tpu.dma_semaphore, #tpu.memory_space<semaphore_mem>>)
      } else {
      }
      %mul3A_127 = arith.constant 2 : i32
      %mul3A_128 = arith.muli %scan3A_82, %mul3A_127 : i32
      %add3A_129 = arith.constant 1 : i32
      %add3A_130 = arith.addi %mul3A_128, %add3A_129 : i32
      %mul3A_131 = arith.constant 2048 : i32
      %mul3A_132 = arith.muli %add3A_130, %mul3A_131 : i32
      %dma_wait3A_133 = arith.constant 1 : i32
      %dma_wait3A_134 = arith.constant 1 : i32
      %dma_wait3A_135 = arith.constant 0 : i32
      %dma_wait3A_136 = tpu.memref_slice %arg6[%dma_wait3A_133, %dma_wait3A_135] : memref<2x2048xi32, #tpu.memory_space<vmem>> -> memref<1x2048xi32, #tpu.memory_space<vmem>>
      %dma_wait3A_137 = tpu.memref_squeeze %dma_wait3A_136 : memref<1x2048xi32, #tpu.memory_space<vmem>> -> memref<2048xi32, #tpu.memory_space<vmem>>
      %dma_wait3A_138 = tpu.memref_slice %arg3[%mul3A_132] : memref<327680xi32, #tpu.memory_space<hbm>> -> memref<2048xi32, #tpu.memory_space<hbm>>
      %dma_wait3A_139 = tpu.memref_slice %arg10[%dma_wait3A_134] : memref<2x!tpu.dma_semaphore, #tpu.memory_space<semaphore_mem>> -> memref<1x!tpu.dma_semaphore, #tpu.memory_space<semaphore_mem>>
      %dma_wait3A_140 = tpu.memref_squeeze %dma_wait3A_139 : memref<1x!tpu.dma_semaphore, #tpu.memory_space<semaphore_mem>> -> memref<!tpu.dma_semaphore, #tpu.memory_space<semaphore_mem>>
      %dma_wait3A_141 = arith.constant 0 : i32
      %dma_wait3A_142 = tpu.memref_slice %arg6[%dma_wait3A_133, %dma_wait3A_141] : memref<2x2048xi32, #tpu.memory_space<vmem>> -> memref<1x2048xi32, #tpu.memory_space<vmem>>
      %dma_wait3A_143 = tpu.memref_squeeze %dma_wait3A_142 : memref<1x2048xi32, #tpu.memory_space<vmem>> -> memref<2048xi32, #tpu.memory_space<vmem>>
      %dma_wait3A_144 = tpu.memref_slice %arg3[%mul3A_132] : memref<327680xi32, #tpu.memory_space<hbm>> -> memref<2048xi32, #tpu.memory_space<hbm>>
      tpu.wait_dma2 semaphore(%dma_wait3A_140 : memref<!tpu.dma_semaphore, #tpu.memory_space<semaphore_mem>>) src(%dma_wait3A_144 : memref<2048xi32, #tpu.memory_space<hbm>>) dst(%dma_wait3A_143 : memref<2048xi32, #tpu.memory_space<vmem>>)
      %mul3A_145 = arith.constant 1024 : i32
      %mul3A_146 = arith.muli %add3A_130, %mul3A_145 : i32
      %dma_wait3A_147 = arith.constant 1 : i32
      %dma_wait3A_148 = arith.constant 1 : i32
      %dma_wait3A_149 = arith.constant 0 : i32
      %dma_wait3A_150 = arith.constant 0 : i32
      %dma_wait3A_151 = tpu.memref_slice %arg7[%dma_wait3A_147, %dma_wait3A_149, %dma_wait3A_150] : memref<2x4x1024xi32, #tpu.memory_space<vmem>> -> memref<1x4x1024xi32, #tpu.memory_space<vmem>>
      %dma_wait3A_152 = tpu.memref_squeeze %dma_wait3A_151 : memref<1x4x1024xi32, #tpu.memory_space<vmem>> -> memref<4x1024xi32, #tpu.memory_space<vmem>>
      %dma_wait3A_153 = arith.constant 0 : i32
      %dma_wait3A_154 = tpu.memref_slice %arg4[%add3A, %dma_wait3A_153, %mul3A_146] : memref<32x4x163840xi32, #tpu.memory_space<hbm>> -> memref<1x4x1024xi32, #tpu.memory_space<hbm>>
      %dma_wait3A_155 = tpu.memref_squeeze %dma_wait3A_154 : memref<1x4x1024xi32, #tpu.memory_space<hbm>> -> memref<4x1024xi32, #tpu.memory_space<hbm>>
      %dma_wait3A_156 = tpu.memref_slice %arg11[%dma_wait3A_148] : memref<2x!tpu.dma_semaphore, #tpu.memory_space<semaphore_mem>> -> memref<1x!tpu.dma_semaphore, #tpu.memory_space<semaphore_mem>>
      %dma_wait3A_157 = tpu.memref_squeeze %dma_wait3A_156 : memref<1x!tpu.dma_semaphore, #tpu.memory_space<semaphore_mem>> -> memref<!tpu.dma_semaphore, #tpu.memory_space<semaphore_mem>>
      %dma_wait3A_158 = arith.constant 0 : i32
      %dma_wait3A_159 = arith.constant 0 : i32
      %dma_wait3A_160 = tpu.memref_slice %arg7[%dma_wait3A_147, %dma_wait3A_158, %dma_wait3A_159] : memref<2x4x1024xi32, #tpu.memory_space<vmem>> -> memref<1x4x1024xi32, #tpu.memory_space<vmem>>
      %dma_wait3A_161 = tpu.memref_squeeze %dma_wait3A_160 : memref<1x4x1024xi32, #tpu.memory_space<vmem>> -> memref<4x1024xi32, #tpu.memory_space<vmem>>
      %dma_wait3A_162 = arith.constant 0 : i32
      %dma_wait3A_163 = tpu.memref_slice %arg4[%add3A, %dma_wait3A_162, %mul3A_146] : memref<32x4x163840xi32, #tpu.memory_space<hbm>> -> memref<1x4x1024xi32, #tpu.memory_space<hbm>>
      %dma_wait3A_164 = tpu.memref_squeeze %dma_wait3A_163 : memref<1x4x1024xi32, #tpu.memory_space<hbm>> -> memref<4x1024xi32, #tpu.memory_space<hbm>>
      tpu.wait_dma2 semaphore(%dma_wait3A_157 : memref<!tpu.dma_semaphore, #tpu.memory_space<semaphore_mem>>) src(%dma_wait3A_164 : memref<4x1024xi32, #tpu.memory_space<hbm>>) dst(%dma_wait3A_161 : memref<4x1024xi32, #tpu.memory_space<vmem>>)
      %parallel_loop3A_165 = arith.constant 0 : i32
      %parallel_loop3A_166 = arith.constant 64 : i32
      %parallel_loop3A_167 = arith.constant 1 : i32
      scf.for %parallel_loop3A_176 = %parallel_loop3A_165 to %parallel_loop3A_166 step %parallel_loop3A_167  : i32 {
        %parallel_loop3A_177 = arith.constant 32 : i32
        %parallel_loop3A_178 = arith.muli %parallel_loop3A_176, %parallel_loop3A_177 : i32
        %parallel_loop3A_179 = arith.constant 1 : i32
        %parallel_loop3A_180 = arith.index_cast %parallel_loop3A_179 : i32 to index
        %parallel_loop3A_181 = arith.index_cast %parallel_loop3A_178 : i32 to index
        %parallel_loop3A_182 = tpu.vector_load %arg6[%parallel_loop3A_180, %parallel_loop3A_181] {strides = array<i32>} : memref<2x2048xi32, #tpu.memory_space<vmem>>, vector<16xi32>,
        %parallel_loop3A_183 = arith.constant 32 : i32
        %parallel_loop3A_184 = arith.muli %parallel_loop3A_176, %parallel_loop3A_183 : i32
        %parallel_loop3A_185 = arith.constant 16 : i32
        %parallel_loop3A_186 = arith.addi %parallel_loop3A_184, %parallel_loop3A_185 : i32
        %parallel_loop3A_187 = arith.constant 1 : i32
        %parallel_loop3A_188 = arith.index_cast %parallel_loop3A_187 : i32 to index
        %parallel_loop3A_189 = arith.index_cast %parallel_loop3A_186 : i32 to index
        %parallel_loop3A_190 = tpu.vector_load %arg6[%parallel_loop3A_188, %parallel_loop3A_189] {strides = array<i32>} : memref<2x2048xi32, #tpu.memory_space<vmem>>, vector<16xi32>,
        %parallel_loop3A_191 = arith.constant 65535 : i32
        %parallel_loop3A_192 = vector.broadcast %parallel_loop3A_191 : i32 to vector<16xi32>
        %parallel_loop3A_193 = arith.andi %parallel_loop3A_182, %parallel_loop3A_192 : vector<16xi32>
        %parallel_loop3A_194 = arith.constant 16 : i32
        %parallel_loop3A_195 = vector.broadcast %parallel_loop3A_194 : i32 to vector<16xi32>
        %parallel_loop3A_196 = arith.shrui %parallel_loop3A_182, %parallel_loop3A_195 : vector<16xi32>
        %parallel_loop3A_197 = arith.constant 65535 : i32
        %parallel_loop3A_198 = vector.broadcast %parallel_loop3A_197 : i32 to vector<16xi32>
        %parallel_loop3A_199 = arith.andi %parallel_loop3A_190, %parallel_loop3A_198 : vector<16xi32>
        %parallel_loop3A_200 = arith.constant 16 : i32
        %parallel_loop3A_201 = vector.broadcast %parallel_loop3A_200 : i32 to vector<16xi32>
        %parallel_loop3A_202 = arith.shrui %parallel_loop3A_190, %parallel_loop3A_201 : vector<16xi32>
        %parallel_loop3A_203 = arith.constant 16 : i32
        %parallel_loop3A_204 = arith.muli %parallel_loop3A_176, %parallel_loop3A_203 : i32
        %parallel_loop3A_205 = arith.constant 1 : i32
        %parallel_loop3A_206 = arith.constant 0 : i32
        %parallel_loop3A_207 = arith.index_cast %parallel_loop3A_205 : i32 to index
        %parallel_loop3A_208 = arith.index_cast %parallel_loop3A_206 : i32 to index
        %parallel_loop3A_209 = arith.index_cast %parallel_loop3A_204 : i32 to index
        %parallel_loop3A_210 = tpu.vector_load %arg7[%parallel_loop3A_207, %parallel_loop3A_208, %parallel_loop3A_209] {strides = array<i32>} : memref<2x4x1024xi32, #tpu.memory_space<vmem>>, vector<16xi32>,
        %parallel_loop3A_211 = arith.constant 16 : i32
        %parallel_loop3A_212 = vector.broadcast %parallel_loop3A_211 : i32 to vector<16xi32>
        %parallel_loop3A_213 = arith.shli %parallel_loop3A_210, %parallel_loop3A_212 : vector<16xi32>
        %parallel_loop3A_214 = tpu.bitcast %parallel_loop3A_213 : vector<16xi32> -> vector<16xf32>
        %parallel_loop3A_215 = arith.constant -65536 : i32
        %parallel_loop3A_216 = vector.broadcast %parallel_loop3A_215 : i32 to vector<16xi32>
        %parallel_loop3A_217 = arith.andi %parallel_loop3A_210, %parallel_loop3A_216 : vector<16xi32>
        %parallel_loop3A_218 = tpu.bitcast %parallel_loop3A_217 : vector<16xi32> -> vector<16xf32>
        %parallel_loop3A_219 = arith.constant 0 : i32
        %parallel_loop3A_220 = vector.broadcast %parallel_loop3A_219 : i32 to vector<16xi32>
        %parallel_loop3A_221 = arith.addi %parallel_loop3A_193, %parallel_loop3A_220 : vector<16xi32>
        %parallel_loop3A_222 = tpu.vector_load_idx %arg8[%parallel_loop3A_221] : memref<40960xf32, #tpu.memory_space<vmem>>[vector<16xi32>], vector<16xf32>,
        %parallel_loop3A_223 = arith.constant 0 : i32
        %parallel_loop3A_224 = vector.broadcast %parallel_loop3A_223 : i32 to vector<16xi32>
        %parallel_loop3A_225 = arith.addi %parallel_loop3A_199, %parallel_loop3A_224 : vector<16xi32>
        %parallel_loop3A_226 = tpu.vector_load_idx %arg8[%parallel_loop3A_225] : memref<40960xf32, #tpu.memory_space<vmem>>[vector<16xi32>], vector<16xf32>,
        %parallel_loop3A_227 = arith.constant 0 : i32
        %parallel_loop3A_228 = vector.broadcast %parallel_loop3A_227 : i32 to vector<16xi32>
        %parallel_loop3A_229 = arith.addi %parallel_loop3A_196, %parallel_loop3A_228 : vector<16xi32>
        %parallel_loop3A_230 = arith.mulf %parallel_loop3A_222, %parallel_loop3A_214 : vector<16xf32>
        tpu.vector_store_idx %arg9[%parallel_loop3A_229], %parallel_loop3A_230 {add = true} : memref<40960xf32, #tpu.memory_space<vmem>>[vector<16xi32>], vector<16xf32>,
        %parallel_loop3A_231 = arith.constant 0 : i32
        %parallel_loop3A_232 = vector.broadcast %parallel_loop3A_231 : i32 to vector<16xi32>
        %parallel_loop3A_233 = arith.addi %parallel_loop3A_202, %parallel_loop3A_232 : vector<16xi32>
        %parallel_loop3A_234 = arith.mulf %parallel_loop3A_226, %parallel_loop3A_218 : vector<16xf32>
        tpu.vector_store_idx %arg9[%parallel_loop3A_233], %parallel_loop3A_234 {add = true} : memref<40960xf32, #tpu.memory_space<vmem>>[vector<16xi32>], vector<16xf32>,
        %parallel_loop3A_235 = arith.constant 16 : i32
        %parallel_loop3A_236 = arith.muli %parallel_loop3A_176, %parallel_loop3A_235 : i32
        %parallel_loop3A_237 = arith.constant 1 : i32
        %parallel_loop3A_238 = arith.constant 1 : i32
        %parallel_loop3A_239 = arith.index_cast %parallel_loop3A_237 : i32 to index
        %parallel_loop3A_240 = arith.index_cast %parallel_loop3A_238 : i32 to index
        %parallel_loop3A_241 = arith.index_cast %parallel_loop3A_236 : i32 to index
        %parallel_loop3A_242 = tpu.vector_load %arg7[%parallel_loop3A_239, %parallel_loop3A_240, %parallel_loop3A_241] {strides = array<i32>} : memref<2x4x1024xi32, #tpu.memory_space<vmem>>, vector<16xi32>,
        %parallel_loop3A_243 = arith.constant 16 : i32
        %parallel_loop3A_244 = vector.broadcast %parallel_loop3A_243 : i32 to vector<16xi32>
        %parallel_loop3A_245 = arith.shli %parallel_loop3A_242, %parallel_loop3A_244 : vector<16xi32>
        %parallel_loop3A_246 = tpu.bitcast %parallel_loop3A_245 : vector<16xi32> -> vector<16xf32>
        %parallel_loop3A_247 = arith.constant -65536 : i32
        %parallel_loop3A_248 = vector.broadcast %parallel_loop3A_247 : i32 to vector<16xi32>
        %parallel_loop3A_249 = arith.andi %parallel_loop3A_242, %parallel_loop3A_248 : vector<16xi32>
        %parallel_loop3A_250 = tpu.bitcast %parallel_loop3A_249 : vector<16xi32> -> vector<16xf32>
        %parallel_loop3A_251 = arith.constant 10240 : i32
        %parallel_loop3A_252 = vector.broadcast %parallel_loop3A_251 : i32 to vector<16xi32>
        %parallel_loop3A_253 = arith.addi %parallel_loop3A_193, %parallel_loop3A_252 : vector<16xi32>
        %parallel_loop3A_254 = tpu.vector_load_idx %arg8[%parallel_loop3A_253] : memref<40960xf32, #tpu.memory_space<vmem>>[vector<16xi32>], vector<16xf32>,
        %parallel_loop3A_255 = arith.constant 10240 : i32
        %parallel_loop3A_256 = vector.broadcast %parallel_loop3A_255 : i32 to vector<16xi32>
        %parallel_loop3A_257 = arith.addi %parallel_loop3A_199, %parallel_loop3A_256 : vector<16xi32>
        %parallel_loop3A_258 = tpu.vector_load_idx %arg8[%parallel_loop3A_257] : memref<40960xf32, #tpu.memory_space<vmem>>[vector<16xi32>], vector<16xf32>,
        %parallel_loop3A_259 = arith.constant 10240 : i32
        %parallel_loop3A_260 = vector.broadcast %parallel_loop3A_259 : i32 to vector<16xi32>
        %parallel_loop3A_261 = arith.addi %parallel_loop3A_196, %parallel_loop3A_260 : vector<16xi32>
        %parallel_loop3A_262 = arith.mulf %parallel_loop3A_254, %parallel_loop3A_246 : vector<16xf32>
        tpu.vector_store_idx %arg9[%parallel_loop3A_261], %parallel_loop3A_262 {add = true} : memref<40960xf32, #tpu.memory_space<vmem>>[vector<16xi32>], vector<16xf32>,
        %parallel_loop3A_263 = arith.constant 10240 : i32
        %parallel_loop3A_264 = vector.broadcast %parallel_loop3A_263 : i32 to vector<16xi32>
        %parallel_loop3A_265 = arith.addi %parallel_loop3A_202, %parallel_loop3A_264 : vector<16xi32>
        %parallel_loop3A_266 = arith.mulf %parallel_loop3A_258, %parallel_loop3A_250 : vector<16xf32>
        tpu.vector_store_idx %arg9[%parallel_loop3A_265], %parallel_loop3A_266 {add = true} : memref<40960xf32, #tpu.memory_space<vmem>>[vector<16xi32>], vector<16xf32>,
        %parallel_loop3A_267 = arith.constant 16 : i32
        %parallel_loop3A_268 = arith.muli %parallel_loop3A_176, %parallel_loop3A_267 : i32
        %parallel_loop3A_269 = arith.constant 1 : i32
        %parallel_loop3A_270 = arith.constant 2 : i32
        %parallel_loop3A_271 = arith.index_cast %parallel_loop3A_269 : i32 to index
        %parallel_loop3A_272 = arith.index_cast %parallel_loop3A_270 : i32 to index
        %parallel_loop3A_273 = arith.index_cast %parallel_loop3A_268 : i32 to index
        %parallel_loop3A_274 = tpu.vector_load %arg7[%parallel_loop3A_271, %parallel_loop3A_272, %parallel_loop3A_273] {strides = array<i32>} : memref<2x4x1024xi32, #tpu.memory_space<vmem>>, vector<16xi32>,
        %parallel_loop3A_275 = arith.constant 16 : i32
        %parallel_loop3A_276 = vector.broadcast %parallel_loop3A_275 : i32 to vector<16xi32>
        %parallel_loop3A_277 = arith.shli %parallel_loop3A_274, %parallel_loop3A_276 : vector<16xi32>
        %parallel_loop3A_278 = tpu.bitcast %parallel_loop3A_277 : vector<16xi32> -> vector<16xf32>
        %parallel_loop3A_279 = arith.constant -65536 : i32
        %parallel_loop3A_280 = vector.broadcast %parallel_loop3A_279 : i32 to vector<16xi32>
        %parallel_loop3A_281 = arith.andi %parallel_loop3A_274, %parallel_loop3A_280 : vector<16xi32>
        %parallel_loop3A_282 = tpu.bitcast %parallel_loop3A_281 : vector<16xi32> -> vector<16xf32>
        %parallel_loop3A_283 = arith.constant 20480 : i32
        %parallel_loop3A_284 = vector.broadcast %parallel_loop3A_283 : i32 to vector<16xi32>
        %parallel_loop3A_285 = arith.addi %parallel_loop3A_193, %parallel_loop3A_284 : vector<16xi32>
        %parallel_loop3A_286 = tpu.vector_load_idx %arg8[%parallel_loop3A_285] : memref<40960xf32, #tpu.memory_space<vmem>>[vector<16xi32>], vector<16xf32>,
        %parallel_loop3A_287 = arith.constant 20480 : i32
        %parallel_loop3A_288 = vector.broadcast %parallel_loop3A_287 : i32 to vector<16xi32>
        %parallel_loop3A_289 = arith.addi %parallel_loop3A_199, %parallel_loop3A_288 : vector<16xi32>
        %parallel_loop3A_290 = tpu.vector_load_idx %arg8[%parallel_loop3A_289] : memref<40960xf32, #tpu.memory_space<vmem>>[vector<16xi32>], vector<16xf32>,
        %parallel_loop3A_291 = arith.constant 20480 : i32
        %parallel_loop3A_292 = vector.broadcast %parallel_loop3A_291 : i32 to vector<16xi32>
        %parallel_loop3A_293 = arith.addi %parallel_loop3A_196, %parallel_loop3A_292 : vector<16xi32>
        %parallel_loop3A_294 = arith.mulf %parallel_loop3A_286, %parallel_loop3A_278 : vector<16xf32>
        tpu.vector_store_idx %arg9[%parallel_loop3A_293], %parallel_loop3A_294 {add = true} : memref<40960xf32, #tpu.memory_space<vmem>>[vector<16xi32>], vector<16xf32>,
        %parallel_loop3A_295 = arith.constant 20480 : i32
        %parallel_loop3A_296 = vector.broadcast %parallel_loop3A_295 : i32 to vector<16xi32>
        %parallel_loop3A_297 = arith.addi %parallel_loop3A_202, %parallel_loop3A_296 : vector<16xi32>
        %parallel_loop3A_298 = arith.mulf %parallel_loop3A_290, %parallel_loop3A_282 : vector<16xf32>
        tpu.vector_store_idx %arg9[%parallel_loop3A_297], %parallel_loop3A_298 {add = true} : memref<40960xf32, #tpu.memory_space<vmem>>[vector<16xi32>], vector<16xf32>,
        %parallel_loop3A_299 = arith.constant 16 : i32
        %parallel_loop3A_300 = arith.muli %parallel_loop3A_176, %parallel_loop3A_299 : i32
        %parallel_loop3A_301 = arith.constant 1 : i32
        %parallel_loop3A_302 = arith.constant 3 : i32
        %parallel_loop3A_303 = arith.index_cast %parallel_loop3A_301 : i32 to index
        %parallel_loop3A_304 = arith.index_cast %parallel_loop3A_302 : i32 to index
        %parallel_loop3A_305 = arith.index_cast %parallel_loop3A_300 : i32 to index
        %parallel_loop3A_306 = tpu.vector_load %arg7[%parallel_loop3A_303, %parallel_loop3A_304, %parallel_loop3A_305] {strides = array<i32>} : memref<2x4x1024xi32, #tpu.memory_space<vmem>>, vector<16xi32>,
        %parallel_loop3A_307 = arith.constant 16 : i32
        %parallel_loop3A_308 = vector.broadcast %parallel_loop3A_307 : i32 to vector<16xi32>
        %parallel_loop3A_309 = arith.shli %parallel_loop3A_306, %parallel_loop3A_308 : vector<16xi32>
        %parallel_loop3A_310 = tpu.bitcast %parallel_loop3A_309 : vector<16xi32> -> vector<16xf32>
        %parallel_loop3A_311 = arith.constant -65536 : i32
        %parallel_loop3A_312 = vector.broadcast %parallel_loop3A_311 : i32 to vector<16xi32>
        %parallel_loop3A_313 = arith.andi %parallel_loop3A_306, %parallel_loop3A_312 : vector<16xi32>
        %parallel_loop3A_314 = tpu.bitcast %parallel_loop3A_313 : vector<16xi32> -> vector<16xf32>
        %parallel_loop3A_315 = arith.constant 30720 : i32
        %parallel_loop3A_316 = vector.broadcast %parallel_loop3A_315 : i32 to vector<16xi32>
        %parallel_loop3A_317 = arith.addi %parallel_loop3A_193, %parallel_loop3A_316 : vector<16xi32>
        %parallel_loop3A_318 = tpu.vector_load_idx %arg8[%parallel_loop3A_317] : memref<40960xf32, #tpu.memory_space<vmem>>[vector<16xi32>], vector<16xf32>,
        %parallel_loop3A_319 = arith.constant 30720 : i32
        %parallel_loop3A_320 = vector.broadcast %parallel_loop3A_319 : i32 to vector<16xi32>
        %parallel_loop3A_321 = arith.addi %parallel_loop3A_199, %parallel_loop3A_320 : vector<16xi32>
        %parallel_loop3A_322 = tpu.vector_load_idx %arg8[%parallel_loop3A_321] : memref<40960xf32, #tpu.memory_space<vmem>>[vector<16xi32>], vector<16xf32>,
        %parallel_loop3A_323 = arith.constant 30720 : i32
        %parallel_loop3A_324 = vector.broadcast %parallel_loop3A_323 : i32 to vector<16xi32>
        %parallel_loop3A_325 = arith.addi %parallel_loop3A_196, %parallel_loop3A_324 : vector<16xi32>
        %parallel_loop3A_326 = arith.mulf %parallel_loop3A_318, %parallel_loop3A_310 : vector<16xf32>
        tpu.vector_store_idx %arg9[%parallel_loop3A_325], %parallel_loop3A_326 {add = true} : memref<40960xf32, #tpu.memory_space<vmem>>[vector<16xi32>], vector<16xf32>,
        %parallel_loop3A_327 = arith.constant 30720 : i32
        %parallel_loop3A_328 = vector.broadcast %parallel_loop3A_327 : i32 to vector<16xi32>
        %parallel_loop3A_329 = arith.addi %parallel_loop3A_202, %parallel_loop3A_328 : vector<16xi32>
        %parallel_loop3A_330 = arith.mulf %parallel_loop3A_322, %parallel_loop3A_314 : vector<16xf32>
        tpu.vector_store_idx %arg9[%parallel_loop3A_329], %parallel_loop3A_330 {add = true} : memref<40960xf32, #tpu.memory_space<vmem>>[vector<16xi32>], vector<16xf32>,
      } {sc.loop_unroll_factor = 4 : i64, sc.parallel_access}
      %add3A_168 = arith.constant 2 : i32
      %add3A_169 = arith.addi %add3A_130, %add3A_168 : i32
      %lt3A_170 = arith.constant 160 : i32
      %lt3A_171 = arith.cmpi slt, %add3A_169, %lt3A_170 : i32
      %convert_element_type3A_172 = arith.extui %lt3A_171 : i1 to i32
      %cond3A_173 = arith.constant 0 : i32
      %cond3A_174 = arith.cmpi ne, %convert_element_type3A_172, %cond3A_173 : i32
      scf.if %cond3A_174 {
        %add3A_176 = arith.constant 2 : i32
        %add3A_177 = arith.addi %add3A_130, %add3A_176 : i32
        %mul3A_178 = arith.constant 2048 : i32
        %mul3A_179 = arith.muli %add3A_177, %mul3A_178 : i32
        %dma_start3A_180 = arith.constant 1 : i32
        %dma_start3A_181 = arith.constant 1 : i32
        %dma_start3A_182 = arith.constant 0 : i32
        %dma_start3A_183 = tpu.memref_slice %arg6[%dma_start3A_180, %dma_start3A_182] : memref<2x2048xi32, #tpu.memory_space<vmem>> -> memref<1x2048xi32, #tpu.memory_space<vmem>>
        %dma_start3A_184 = tpu.memref_squeeze %dma_start3A_183 : memref<1x2048xi32, #tpu.memory_space<vmem>> -> memref<2048xi32, #tpu.memory_space<vmem>>
        %dma_start3A_185 = tpu.memref_slice %arg3[%mul3A_179] : memref<327680xi32, #tpu.memory_space<hbm>> -> memref<2048xi32, #tpu.memory_space<hbm>>
        %dma_start3A_186 = tpu.memref_slice %arg10[%dma_start3A_181] : memref<2x!tpu.dma_semaphore, #tpu.memory_space<semaphore_mem>> -> memref<1x!tpu.dma_semaphore, #tpu.memory_space<semaphore_mem>>
        %dma_start3A_187 = tpu.memref_squeeze %dma_start3A_186 : memref<1x!tpu.dma_semaphore, #tpu.memory_space<semaphore_mem>> -> memref<!tpu.dma_semaphore, #tpu.memory_space<semaphore_mem>>
        %dma_start3A_188 = arith.constant 0 : i32
        %dma_start3A_189 = tpu.memref_slice %arg6[%dma_start3A_180, %dma_start3A_188] : memref<2x2048xi32, #tpu.memory_space<vmem>> -> memref<1x2048xi32, #tpu.memory_space<vmem>>
        %dma_start3A_190 = tpu.memref_squeeze %dma_start3A_189 : memref<1x2048xi32, #tpu.memory_space<vmem>> -> memref<2048xi32, #tpu.memory_space<vmem>>
        %dma_start3A_191 = tpu.memref_slice %arg3[%mul3A_179] : memref<327680xi32, #tpu.memory_space<hbm>> -> memref<2048xi32, #tpu.memory_space<hbm>>
        tpu.enqueue_dma source(%dma_start3A_191 : memref<2048xi32, #tpu.memory_space<hbm>>) target(%dma_start3A_190 : memref<2048xi32, #tpu.memory_space<vmem>>) target_semaphore(%dma_start3A_187 : memref<!tpu.dma_semaphore, #tpu.memory_space<semaphore_mem>>)
        %mul3A_192 = arith.constant 1024 : i32
        %mul3A_193 = arith.muli %add3A_177, %mul3A_192 : i32
        %dma_start3A_194 = arith.constant 1 : i32
        %dma_start3A_195 = arith.constant 1 : i32
        %dma_start3A_196 = arith.constant 0 : i32
        %dma_start3A_197 = arith.constant 0 : i32
        %dma_start3A_198 = tpu.memref_slice %arg7[%dma_start3A_194, %dma_start3A_196, %dma_start3A_197] : memref<2x4x1024xi32, #tpu.memory_space<vmem>> -> memref<1x4x1024xi32, #tpu.memory_space<vmem>>
        %dma_start3A_199 = tpu.memref_squeeze %dma_start3A_198 : memref<1x4x1024xi32, #tpu.memory_space<vmem>> -> memref<4x1024xi32, #tpu.memory_space<vmem>>
        %dma_start3A_200 = arith.constant 0 : i32
        %dma_start3A_201 = tpu.memref_slice %arg4[%add3A, %dma_start3A_200, %mul3A_193] : memref<32x4x163840xi32, #tpu.memory_space<hbm>> -> memref<1x4x1024xi32, #tpu.memory_space<hbm>>
        %dma_start3A_202 = tpu.memref_squeeze %dma_start3A_201 : memref<1x4x1024xi32, #tpu.memory_space<hbm>> -> memref<4x1024xi32, #tpu.memory_space<hbm>>
        %dma_start3A_203 = tpu.memref_slice %arg11[%dma_start3A_195] : memref<2x!tpu.dma_semaphore, #tpu.memory_space<semaphore_mem>> -> memref<1x!tpu.dma_semaphore, #tpu.memory_space<semaphore_mem>>
        %dma_start3A_204 = tpu.memref_squeeze %dma_start3A_203 : memref<1x!tpu.dma_semaphore, #tpu.memory_space<semaphore_mem>> -> memref<!tpu.dma_semaphore, #tpu.memory_space<semaphore_mem>>
        %dma_start3A_205 = arith.constant 0 : i32
        %dma_start3A_206 = arith.constant 0 : i32
        %dma_start3A_207 = tpu.memref_slice %arg7[%dma_start3A_194, %dma_start3A_205, %dma_start3A_206] : memref<2x4x1024xi32, #tpu.memory_space<vmem>> -> memref<1x4x1024xi32, #tpu.memory_space<vmem>>
        %dma_start3A_208 = tpu.memref_squeeze %dma_start3A_207 : memref<1x4x1024xi32, #tpu.memory_space<vmem>> -> memref<4x1024xi32, #tpu.memory_space<vmem>>
        %dma_start3A_209 = arith.constant 0 : i32
        %dma_start3A_210 = tpu.memref_slice %arg4[%add3A, %dma_start3A_209, %mul3A_193] : memref<32x4x163840xi32, #tpu.memory_space<hbm>> -> memref<1x4x1024xi32, #tpu.memory_space<hbm>>
        %dma_start3A_211 = tpu.memref_squeeze %dma_start3A_210 : memref<1x4x1024xi32, #tpu.memory_space<hbm>> -> memref<4x1024xi32, #tpu.memory_space<hbm>>
        tpu.enqueue_dma source(%dma_start3A_211 : memref<4x1024xi32, #tpu.memory_space<hbm>>) target(%dma_start3A_208 : memref<4x1024xi32, #tpu.memory_space<vmem>>) target_semaphore(%dma_start3A_204 : memref<!tpu.dma_semaphore, #tpu.memory_space<semaphore_mem>>)
      } else {
      }
      %scan3A_175 = arith.constant 0 : i32
      scf.yield %scan3A_175 : i32
    }
    %scan3A_81 = arith.constant 80 : i32
    "tpu.region"() ({
      %run_scoped3A = tpu.sem_alloc : memref<!tpu.dma_semaphore, #tpu.memory_space<semaphore_mem>>
      %dma_start3A_82 = arith.constant 0 : i32
      %dma_start3A_83 = tpu.memref_slice %arg5[%add3A, %dma_start3A_82] : memref<32x40960xf32, #tpu.memory_space<hbm>> -> memref<1x40960xf32, #tpu.memory_space<hbm>>
      %dma_start3A_84 = tpu.memref_squeeze %dma_start3A_83 : memref<1x40960xf32, #tpu.memory_space<hbm>> -> memref<40960xf32, #tpu.memory_space<hbm>>
      %dma_start3A_85 = arith.constant 0 : i32
      %dma_start3A_86 = tpu.memref_slice %arg5[%add3A, %dma_start3A_85] : memref<32x40960xf32, #tpu.memory_space<hbm>> -> memref<1x40960xf32, #tpu.memory_space<hbm>>
      %dma_start3A_87 = tpu.memref_squeeze %dma_start3A_86 : memref<1x40960xf32, #tpu.memory_space<hbm>> -> memref<40960xf32, #tpu.memory_space<hbm>>
      tpu.enqueue_dma source(%arg9 : memref<40960xf32, #tpu.memory_space<vmem>>) target(%dma_start3A_87 : memref<40960xf32, #tpu.memory_space<hbm>>) target_semaphore(%run_scoped3A : memref<!tpu.dma_semaphore, #tpu.memory_space<semaphore_mem>>)
      %dma_wait3A = arith.constant 0 : i32
      %dma_wait3A_88 = tpu.memref_slice %arg5[%add3A, %dma_wait3A] : memref<32x40960xf32, #tpu.memory_space<hbm>> -> memref<1x40960xf32, #tpu.memory_space<hbm>>
      %dma_wait3A_89 = tpu.memref_squeeze %dma_wait3A_88 : memref<1x40960xf32, #tpu.memory_space<hbm>> -> memref<40960xf32, #tpu.memory_space<hbm>>
      %dma_wait3A_90 = arith.constant 0 : i32
      %dma_wait3A_91 = tpu.memref_slice %arg5[%add3A, %dma_wait3A_90] : memref<32x40960xf32, #tpu.memory_space<hbm>> -> memref<1x40960xf32, #tpu.memory_space<hbm>>
      %dma_wait3A_92 = tpu.memref_squeeze %dma_wait3A_91 : memref<1x40960xf32, #tpu.memory_space<hbm>> -> memref<40960xf32, #tpu.memory_space<hbm>>
      tpu.wait_dma2 semaphore(%run_scoped3A : memref<!tpu.dma_semaphore, #tpu.memory_space<semaphore_mem>>) src(%arg9 : memref<40960xf32, #tpu.memory_space<vmem>>) dst(%dma_wait3A_92 : memref<40960xf32, #tpu.memory_space<hbm>>)
      tpu.yield
    }) : () -> ()
    return
  }
}

</mosaic_0001>

<sc_bundles>
// kernel: _sc_msg.3.cloned.1.call-start
scs
__scs_entry_jumppad:
0x0: {  	(pc) =	sbr.rel $0x88, $3  }
0x1: {  	(tag) =	ssettag $0x0;
	lr =	simm.s32 $0x1  }
0x2: {  	[smem:$0x3F9E] =	sst lr;
	_ =	strace $0xD0000000  }
0x3: {  	_ = 	snop  }
0x4: {  	_ = 	snop  }
0x5: {  	_ = 	snop  }
0x6: {  	_ = 	snop  }
0x7: {  	_ = 	snop  }
__scs_overlays_trampoline_lowered:
0x8: {  	[smem:$0x3FAD] =	sst s0  }
0x9: {  	[smem:$0x3FAE] =	sst s1  }
0xa: {  	[smem:$0x3FAF] =	sst s2  }
0xb: {  	[smem:$0x3FB0] =	sst s3  }
0xc: {  	[smem:$0x3FB1] =	sst s4  }
0xd: {  	[smem:$0x3FB2] =	sst s5  }
0xe: {  	[smem:$0x3FB3] =	sst s6  }
0xf: {  	[smem:$0x3FB4] =	sst s7  }
0x10: {  	[smem:$0x3FB5] =	sst s8  }
0x11: {  	[smem:$0x3FB6] =	sst s9;
	s0 =	simm.s32 @!p0 $0x0  }
0x12: {  	s1 =	sld [smem:$0x3F9C];
	s0 =	simm.s32 @p0 $0x1  }
0x13: {  	[smem:$0x3FB7] =	sst s0;
	s0 =	simm.s32 @!p1 $0x0  }
0x14: {  	s2 =	sld [smem:$0x3F9B];
	s0 =	simm.s32 @p1 $0x1  }
0x15: {  	[smem:$0x3FB8] =	sst s0;
	s0 =	simm.s32 @!p2 $0x0  }
0x16: {  	s3 =	sld [smem:$0x3FDB];
	s0 =	simm.s32 @p2 $0x1  }
0x17: {  	s4 =	simm.s32 $0x1BF5;
	[smem:$0x3FBA] =	sst s0  }
0x18: {  	s0 =	sld [smem:$0x3F9D];
	_ =	swait.ge [sflag:s4], $0x0  }
0x19: {  	s7 =	sld [smem:$0x3F9E]  }
0x1a: {  	s8 =	sadd.s32 $0xFFFFE003, lr  }
0x1b: {  	s9 =	sadd.s32 $0xFFFFFEF7, lr;
	s5 =	simm.s32 $0xFFFFFFFF;
	p2 =	slt.u32 s8, $0xFFFFF086  }
0x1c: {  	p1 =	slt.u32 s9, $0xF7A;
	s5 =	simm.s32 @!p2 $0x0  }
0x1d: {  	s5 =	simm.s32 @p1 $0x1;
	p0 =	seq.s32 s7, s2  }
0x1e: {  	s7 =	smul.u32 @!p0 $0xF7A, s2;
	p2 =	seq.s32 @!p0 s5, $0x0  }
0x1f: {  	s9 =	smul.u32 $0xF7A, s1;
	s8 =	simm.s32 @!p0 $0x1BF5;
	p2 =	por !p2, p0  }
0x20: {  	[sflag:s8] =	ssyncset.s32 @!p0 $0xFFFFF086;
	s6 =	sadd.s32 @!p0 s3, s7;
	s7 =	simm.s32 @!p0 $0x108  }
0x21: {  	s3 =	sadd.s32 s3, s9;
	s6 =	sadd.s32 @!p0 $0x88, s6;
	s7 =	simm.s32 @p2 $0x1082  }
0x22: {  	[simem:s7], [sflag:s8] =	dma.local @!p0 [hbm:s6], $0xF7A  }
0x23: {  	s9 =	sor.u32 $0xD0000000, s2;
	s6 =	simm.s32 $0x108;
	_ =	swait.ge @!p0 [sflag:s8], $0x0  }
0x24: {  	s3 =	sadd.s32 $0x88, s3;
	s6 =	simm.s32 @!p1 $0x1082;
	[sflag:s4] =	ssyncset.s32 $0xFFFFF086  }
0x25: {  	[simem:s6], [sflag:s4] =	dma.local [hbm:s3], $0xF7A  }
0x26: {  	[smem:$0x3F9E] =	sst s1;
	(tag) =	ssettag s2;
	_ =	strace s9  }
0x27: {  	s1 =	sld [smem:$0x3FAE]  }
0x28: {  	s2 =	sld [smem:$0x3FAF]  }
0x29: {  	s4 =	sld [smem:$0x3FB1]  }
0x2a: {  	p0 =	seq.s32 s5, $0x0;
	s5 =	sld [smem:$0x3FB2]  }
0x2b: {  	s6 =	sld [smem:$0x3FB3]  }
0x2c: {  	s7 =	sld [smem:$0x3FB4]  }
0x2d: {  	s3 =	simm.s32 $0x108;
	s8 =	sld [smem:$0x3FB5]  }
0x2e: {  	s3 =	simm.s32 @!p0 $0x1082;
	s9 =	sld [smem:$0x3FB6]  }
0x2f: {  	lr =	sadd.s32 s0, s3;
	s0 =	sld [smem:$0x3FAD]  }
0x30: {  	s3 =	sld [smem:$0x3FB0]  }
0x31: {  	[smem:$0x3FB9] =	sst s10  }
0x32: {  	s10 =	sld [smem:$0x3FB7];
	_ =	sdelay $0x3  }
0x33: {  	p0 =	seq.s32 s10, $0x1;
	s10 =	sld [smem:$0x3FB9];
	_ =	sdelay $0x3  }
0x34: {  	[smem:$0x3FB9] =	sst s10  }
0x35: {  	s10 =	sld [smem:$0x3FB8];
	_ =	sdelay $0x3  }
0x36: {  	p1 =	seq.s32 s10, $0x1;
	s10 =	sld [smem:$0x3FB9];
	_ =	sdelay $0x3  }
0x37: {  	[smem:$0x3FB9] =	sst s10  }
0x38: {  	s10 =	sld [smem:$0x3FBA]  }
0x39: {  	_ = 	snop;
	(pc) =	sbr.ind lr, $3  }
0x3a: {  	_ = 	snop  }
0x3b: {  	_ = 	snop  }
0x3c: {  	p2 =	seq.s32 s10, $0x1;
	s10 =	sld [smem:$0x3FB9]  }
0x3d: {  	_ =	shalt  }
0x3e: {  	_ =	shalt  }
0x3f: {  	_ =	shalt  }
0x40: {  	_ =	shalt  }
0x41: {  	_ =	shalt  }
0x42: {  	_ =	shalt  }
0x43: {  	_ =	shalt  }
0x44: {  	_ =	shalt  }
0x45: {  	_ =	shalt  }
0x46: {  	_ =	shalt  }
0x47: {  	_ =	shalt  }
0x48: {  	_ =	shalt  }
0x49: {  	_ =	shalt  }
0x4a: {  	_ =	shalt  }
0x4b: {  	_ =	shalt  }
0x4c: {  	_ =	shalt  }
0x4d: {  	_ =	shalt  }
0x4e: {  	_ =	shalt  }
0x4f: {  	_ =	shalt  }
0x50: {  	_ =	shalt  }
0x51: {  	_ =	shalt  }
0x52: {  	_ =	shalt  }
0x53: {  	_ =	shalt  }
0x54: {  	_ =	shalt  }
0x55: {  	_ =	shalt  }
0x56: {  	_ =	shalt  }
0x57: {  	_ =	shalt  }
0x58: {  	_ =	shalt  }
0x59: {  	_ =	shalt  }
0x5a: {  	_ =	shalt  }
0x5b: {  	_ =	shalt  }
0x5c: {  	_ =	shalt  }
0x5d: {  	_ =	shalt  }
0x5e: {  	_ =	shalt  }
0x5f: {  	_ =	shalt  }
0x60: {  	_ =	shalt  }
0x61: {  	_ =	shalt  }
0x62: {  	_ =	shalt  }
0x63: {  	_ =	shalt  }
0x64: {  	_ =	shalt  }
0x65: {  	_ =	shalt  }
0x66: {  	_ =	shalt  }
0x67: {  	_ =	shalt  }
0x68: {  	_ =	shalt  }
0x69: {  	_ =	shalt  }
0x6a: {  	_ =	shalt  }
0x6b: {  	_ =	shalt  }
0x6c: {  	_ =	shalt  }
0x6d: {  	_ =	shalt  }
0x6e: {  	_ =	shalt  }
0x6f: {  	_ =	shalt  }
0x70: {  	_ =	shalt  }
0x71: {  	_ =	shalt  }
0x72: {  	_ =	shalt  }
0x73: {  	_ =	shalt  }
0x74: {  	_ =	shalt  }
0x75: {  	_ =	shalt  }
0x76: {  	_ =	shalt  }
0x77: {  	_ =	shalt  }
0x78: {  	_ =	shalt  }
0x79: {  	_ =	shalt  }
0x7a: {  	_ =	shalt  }
0x7b: {  	_ =	shalt  }
0x7c: {  	_ =	shalt  }
0x7d: {  	_ =	shalt  }
0x7e: {  	_ =	shalt  }
0x7f: {  	_ =	shalt  }
0x80: {  	_ =	shalt  }
0x81: {  	_ =	shalt  }
0x82: {  	_ =	shalt  }
0x83: {  	_ =	shalt  }
0x84: {  	_ =	shalt  }
0x85: {  	_ =	shalt  }
0x86: {  	_ =	shalt  }
0x87: {  	_ =	shalt  }
.Lfunc_end0:
.L_simem_size_0:
called_computation_lowered:
.L_overlay_start_0:
0x88: {  	s2 =	sld [smem:$0x3FD9]  }
0x89: {  	s3 =	sld [smem:$0x3FFE];
	_ =	sdelay $0x1  }
0x8a: {  	s1 =	srdreg.scid  }
0x8b: {  	s0 =	sand.u32 $0x1, s1  }
0x8c: {  	s18 =	sshll.u32 s0, $0xA;
	s2 =	sadd.s32 s3, s2  }
0x8d: {  	s2 =	sadd.s32 s2, s18  }
0x8e: {  	[smem:$0x3FC5] =	sst s2  }
0x8f: {  	_ = 	snop  }
0x90: {  	s2 =	sld [smem:$0x3FC9]  }
0x91: {  	s19 =	sld [smem:$0x3FC8]  }
0x92: {  	s4 =	sld [smem:$0x3FC7]  }
0x93: {  	s5 =	sld [smem:$0x3FD0];
	(tm) =	ssettm $0x1  }
0x94: {  	s6 =	sld [smem:$0x3FFB];
	_ =	sdelay $0x3  }
0x95: {  	_ =	strace s6  }
0x96: {  	s6 =	sld [smem:$0x3FFC];
	_ =	sdelay $0x3  }
0x97: {  	_ =	strace s6  }
0x98: {  	s6 =	sld [smem:$0x3FFD];
	_ =	sdelay $0x3  }
0x99: {  	_ =	strace s6  }
0x9a: {  	_ =	strace $0x8FFFFFFF  }
0x9b: {  	s20 =	sld [smem:$0x3FDB];
	_ =	sdelay $0x1  }
0x9c: {  	s7 =	simm.s32 $_scs_section_size  }
0x9d: {  	s8 =	simm.s32 $_size__tile_overlayer_lowered;
	s9 =	simm.s32 $_tile_overlayer_lowered  }
0x9e: {  	s23 =	simm.s32 $0x1BFF;
	s22 =	sshll.u32 s9, $0x1;
	s6 =	sadd.s32 s7, s20  }
0x9f: {  	s10 =	simm.s32 $0x0;
	s21 =	sshll.u32 s8, $0x1;
	s8 =	sadd.s32 s22, s6  }
0xa0: {  	[timem:s10], [sflag:s23] =	dma.local [hbm:s8], s21  }
0xa1: {  	_ =	swait.ge [sflag:s23], s21  }
0xa2: {  	s7 =	ssub.s32 $0x0, s21;
	[sflag:s23] =	ssyncset.done $0x0  }
0xa3: {  	[sflag:s23] =	ssyncadd.s32 s7;
	_ =	sdelay $0x1  }
0xa4: {  	s24 =	simm.s32 $0x1B8B  }
0xa5: {  	_ =	swait.ge [sflag:s24], $0x1  }
0xa6: {  	[sflag:s24] =	ssyncset.done $0x0  }
0xa7: {  	s25 =	simm.s32 $0x1B8E;
	[sflag:s24] =	ssyncadd.s32 $0xFFFFFFFF  }
0xa8: {  	s26 =	simm.s32 $execute0_lowered;
	[smem:$0x3FD2] =	sst s25  }
0xa9: {  	s7 =	sshll.u32 s26, $0x1;
	_ =	strace $0x80000046;
	[dreg:$0x1] =	wrdreg $0xFFFFFFFF  }
0xaa: {  	s28 =	simm.s32 $_size_execute0_lowered;
	s6 =	sadd.s32 s6, s7;
	[dreg:$0x0] =	wrdreg $0x0  }
0xab: {  	s7 =	sshll.u32 s28, $0x1;
	[dreg:$0x2] =	wrdreg s6  }
0xac: {  	[dreg:$0x3] =	wrdreg s7  }
0xad: {  	[dreg:$0x4] =	wrdreg $0xC0  }
0xae: {  	_ =	task [dreg:s10], $0x5FFFF  }
0xaf: {  	[dreg:$0x1] =	wrdreg $0xFFFFFFFF  }
0xb0: {  	[dreg:$0x0] =	wrdreg $0x60  }
0xb1: {  	[dreg:$0x2] =	wrdreg s2  }
0xb2: {  	[dreg:$0x3] =	wrdreg s19  }
0xb3: {  	[dreg:$0x4] =	wrdreg s4  }
0xb4: {  	[dreg:$0x5] =	wrdreg s5  }
0xb5: {  	[dreg:$0x6] =	wrdreg $0x9  }
0xb6: {  	_ =	task.clear_ibuf [dreg:s10], $0x7FFFF;
	_ =	strace $0x90000046  }
0xb7: {  	s29 =	simm.s32 $0x9;
	_ =	strace $0x80000048  }
0xb8: {  	_ =	swait.ge [sflag:s29], $0x1  }
0xb9: {  	[sflag:s29] =	ssyncadd.s32 $0xFFFFFFFF  }
0xba: {  	_ =	strace $0x90000048  }
0xbb: {  	_ =	sfence  }
0xbc: {  	s30 =	sld [smem:$0x0];
	_ =	sdelay $0x2  }
0xbd: {  	s31 =	sshll.u32 s1, $0xD;
	s1 =	sshrl.u32 s1, $0x2  }
0xbe: {  	s3 =	sand.u32 $0x4000, s31;
	s1 =	sadd.s32 s1, s30  }
0xbf: {  	s0 =	sor.u32 s3, s0;
	s1 =	sshll.u32 s1, $0x11  }
0xc0: {  	s0 =	sor.u32 s1, s0  }
0xc1: {  	s0 =	sadd.s32 $0x8F2B, s0  }
0xc2: {  	[sflag:s0] =	ssyncadd.remote.s32 $0x1  }
0xc3: {  	_ =	sfence.sel $0xFFFF  }
0xc4: {  	[dreg:$0x0] =	wrdreg $0xFFFFFFFF;
	(pc) =	sbr.abs _section_cstart, $3  }
0xc5: {  	[dreg:$0x1] =	wrdreg $0xFFFFFFFF  }
0xc6: {  	_ =	task.clear_ibuf [dreg:s10], $0x2FFFF;
	_ =	strace $0x9FFFFFFF  }
0xc7: {  	(tm) =	ssettm $0x7FFFFFFF  }
tec
execute0_lowered:
.L_overlay_start_1:
0x0: {  	(tag) =	ssettag $0x1  }
0x1: {  	s0 =	rddreg [dreg:$0x0];
	s2 =	srdreg.scid  }
0x2: {  	s1 =	rddreg [dreg:$0x1];
	s2 =	sand.u32 $0x1, s2  }
0x3: {  	s3 =	rddreg [dreg:$0x2];
	s8 =	stileid.u32;
	s4 =	sshll.u32 s2, $0x4  }
0x4: {  	s6 =	rddreg [dreg:$0x3];
	s5 =	sor.u32 s8, s4;
	s4 =	simm.s32 $0x0  }
0x5: {  	s10 =	sadd.s32 $0x100, s1;
	[smem:$0x7FF] =	sst s4  }
0x6: {  	s13 =	sadd.s32 $0x10, s1;
	_ =	strace $0x80000047;
	[dreg:$0x7] =	wrdreg s10  }
0x7: {  	s14 =	sadd.s32 $0x20, s1;
	[dreg:$0xb] =	wrdreg s13  }
0x8: {  	s15 =	sadd.s32 $0x30, s1;
	[dreg:$0xc] =	wrdreg s14  }
0x9: {  	s16 =	sadd.s32 $0x40, s1;
	[dreg:$0xd] =	wrdreg s15  }
0xa: {  	s28 =	simm.s32 $0x80;
	s17 =	sadd.s32 $0x50, s1;
	[dreg:$0xe] =	wrdreg s16  }
0xb: {  	s30 =	simm.s32 $0x3000;
	s18 =	sadd.s32 $0x60, s1;
	[dreg:$0xf] =	wrdreg s17  }
0xc: {  	s29 =	simm.s32 $0x0;
	s19 =	sadd.s32 $0x70, s1;
	[dreg:$0x10] =	wrdreg s18  }
0xd: {  	s20 =	sadd.s32 $0x80, s1;
	s21 =	sadd.s32 $0x90, s1;
	[dreg:$0x11] =	wrdreg s19  }
0xe: {  	s22 =	sadd.s32 $0xA0, s1;
	s23 =	sadd.s32 $0xB0, s1;
	[dreg:$0x12] =	wrdreg s20  }
0xf: {  	s24 =	sadd.s32 $0xC0, s1;
	s25 =	sadd.s32 $0xD0, s1;
	[dreg:$0x13] =	wrdreg s21  }
0x10: {  	s26 =	sadd.s32 $0xE0, s1;
	s2 =	ssub.s32 $0x2, s2;
	[dreg:$0x14] =	wrdreg s22  }
0x11: {  	s8 =	sshll.u32 s8, $0x7;
	s31 =	sshrl.u32 s2, $0x1;
	[dreg:$0x15] =	wrdreg s23  }
0x12: {  	s7 =	sshrl.u32 s5, $0x3;
	s8 =	sand.u32 $0x380, s8;
	[dreg:$0x16] =	wrdreg s24  }
0x13: {  	s5 =	smul.u32 $0xA0000, s5;
	s2 =	ssub.s32 s2, s31;
	[dreg:$0x17] =	wrdreg s25  }
0x14: {  	s31 =	sadd.s32 $0xF0, s1;
	s7 =	smul.u32 $0x50000, s7;
	[dreg:$0x18] =	wrdreg s26  }
0x15: {  	s12 =	smax.u32 s2, $0x1;
	[dreg:$0x19] =	wrdreg s31;
	s2 =	simm.s32 $0x5  }
0x16: {  	s21 =	simm.s32 $0x2000;
	s22 =	simm.s32 $0x1;
	s23 =	simm.s32 $0x3  }
0x17: {  	s9 =	sshrl.u32 s5, $0x3;
	[dreg:$0xa] =	wrdreg s12;
	s7 =	sor.u32 s8, s7  }
.Ltmp0:
0x18: {  	s9 =	sadd.s32 s3, s9;
	s7 =	sshrl.u32 s7, $0x3;
	(pc) =	sbr.rel .LBB2_1-.Ltmp0, $4  }
0x19: {  	s24 =	simm.s32 $0xD000;
	[dreg:$0x6] =	wrdreg s9;
	s0 =	sadd.s32 s0, s7  }
0x1a: {  	s25 =	simm.s32 $0x2;
	s11 =	sadd.s32 s6, s7;
	[dreg:$0x5] =	wrdreg s0  }
0x1b: {  	s26 =	simm.s32 $0x4;
	s0 =	sadd.s32 $0x200, s9;
	[dreg:$0x9] =	wrdreg s11  }
0x1c: {  	v0 =	vimm.f32 $0.0e+00;
	s6 =	simm.s32 $0x400;
	s7 =	simm.s32 $0x0;
	[dreg:$0x8] =	wrdreg s0  }
.LBB2_10:
0x1d: {  	s0 =	rddreg [dreg:$0x9];
	s6 =	simm.s32 $0x400;
	s2 =	simm.s32 $0x5  }
0x1e: {  	[hbm4b:s0+s28] =	stream.strided.scatter [tilespmem:s24], [sflag:$0x5], $0xA000, s6, s28, $0x38;
	[tilespmem:$0x17000] =	vst v63  }
0x1f: {  	_ =	swait.ge [sflag:s2], $0xA000  }
0x20: {  	s7 =	rddreg [dreg:$0x1a]  }
0x21: {  	s31 =	rddreg [dreg:$0xa];
	s7 =	sadd.s32 $0x1, s7  }
0x22: {  	p0 =	sne.s32 s7, s31  }
.Ltmp1:
0x23: {  	_ = 	snop;
	(pc) =	sbr.rel @!p0 .LBB2_11-.Ltmp1, $3  }
0x24: {  	_ =	sdelay $0x1  }
0x25: {  	[sflag:s2] =	ssyncset.done $0x0  }
0x26: {  	[sflag:s2] =	ssyncadd.s32 $0xFFFF6000  }
.LBB2_1:
0x27: {  	[dreg:$0x1a] =	wrdreg s7  }
0x28: {  	s0 =	rddreg [dreg:$0x5]  }
0x29: {  	[tilespmem:s30], [sflag:$0x5] =	stream.strided.gather [hbm4b:s0+s28], $0xA000, s6, s28, $0x38;
	[tilespmem:$0x17000] =	vst v63  }
0x2a: {  	_ =	swait.ge [sflag:s2], $0xA000  }
0x2b: {  	[sflag:s2] =	ssyncset.done $0x0  }
0x2c: {  	s0 =	simm.s32 $0xD020;
	[sflag:s2] =	ssyncadd.s32 $0xFFFF6000  }
0x2d: {  	[tilespmem:s0+$0xFFFFFFE0] =	vst v0  }
0x2e: {  	[tilespmem:s0+$0x10] =	vst v0  }
0x2f: {  	s2 =	simm.s32 $0x0;
	[tilespmem:s0+$0x0] =	vst v0  }
.LBB2_2:
0x30: {  	s2 =	sadd.s32 $0x4, s2  }
0x31: {  	[tilespmem:s0+$0xFFFFFFF0] =	vst v0;
	s0 =	sadd.s32 $0x40, s0;
	p0 =	slt.u32 s2, $0x9FC  }
.Ltmp2:
0x32: {  	[tilespmem:s0+$0xFFFFFFE0] =	vst v0;
	(pc) =	sbr.rel @p0 .LBB2_2-.Ltmp2, $3  }
0x33: {  	_ =	sdelay $0x1  }
0x34: {  	[tilespmem:s0+$0x10] =	vst v0  }
0x35: {  	[tilespmem:s0+$0x0] =	vst v0  }
0x36: {  	[tilespmem:s0+$0xFFFFFFF0] =	vst v0  }
0x37: {  	[tilespmem:s29], [sflag:$0x1] =	stream.linear.gather [hbm4b:s1+s29], $0x80, $0x38;
	[tilespmem:$0x17000] =	vst v63  }
0x38: {  	s20 =	rddreg [dreg:$0xb];
	s2 =	simm.s32 $0x100  }
0x39: {  	[tilespmem:s2], [sflag:$0x1] =	stream.linear.gather [hbm4b:s20+s29], $0x80, $0x38;
	[tilespmem:$0x17000] =	vst v63  }
0x3a: {  	s7 =	simm.s32 $0x200;
	s2 =	rddreg [dreg:$0xc]  }
0x3b: {  	[tilespmem:s7], [sflag:$0x1] =	stream.linear.gather [hbm4b:s2+s29], $0x80, $0x38;
	[tilespmem:$0x17000] =	vst v63  }
0x3c: {  	s8 =	rddreg [dreg:$0xd];
	s9 =	simm.s32 $0x300  }
0x3d: {  	[tilespmem:s9], [sflag:$0x1] =	stream.linear.gather [hbm4b:s8+s29], $0x80, $0x38;
	[tilespmem:$0x17000] =	vst v63  }
0x3e: {  	s10 =	rddreg [dreg:$0xe]  }
0x3f: {  	[tilespmem:s6], [sflag:$0x1] =	stream.linear.gather [hbm4b:s10+s29], $0x80, $0x38;
	[tilespmem:$0x17000] =	vst v63  }
0x40: {  	s11 =	rddreg [dreg:$0xf];
	s12 =	simm.s32 $0x500  }
0x41: {  	[tilespmem:s12], [sflag:$0x1] =	stream.linear.gather [hbm4b:s11+s29], $0x80, $0x38;
	[tilespmem:$0x17000] =	vst v63  }
0x42: {  	s13 =	rddreg [dreg:$0x10];
	s14 =	simm.s32 $0x600  }
0x43: {  	[tilespmem:s14], [sflag:$0x1] =	stream.linear.gather [hbm4b:s13+s29], $0x80, $0x38;
	[tilespmem:$0x17000] =	vst v63  }
0x44: {  	s15 =	rddreg [dreg:$0x11];
	s16 =	simm.s32 $0x700  }
0x45: {  	[tilespmem:s16], [sflag:$0x1] =	stream.linear.gather [hbm4b:s15+s29], $0x80, $0x38;
	[tilespmem:$0x17000] =	vst v63  }
0x46: {  	s17 =	rddreg [dreg:$0x12];
	s18 =	simm.s32 $0x800  }
0x47: {  	[tilespmem:s18], [sflag:$0x1] =	stream.linear.gather [hbm4b:s17+s29], $0x80, $0x38;
	[tilespmem:$0x17000] =	vst v63  }
0x48: {  	s19 =	rddreg [dreg:$0x13];
	s20 =	simm.s32 $0x900  }
0x49: {  	[tilespmem:s20], [sflag:$0x1] =	stream.linear.gather [hbm4b:s19+s29], $0x80, $0x38;
	[tilespmem:$0x17000] =	vst v63  }
0x4a: {  	s2 =	rddreg [dreg:$0x14];
	s6 =	simm.s32 $0xA00  }
0x4b: {  	[tilespmem:s6], [sflag:$0x1] =	stream.linear.gather [hbm4b:s2+s29], $0x80, $0x38;
	[tilespmem:$0x17000] =	vst v63  }
0x4c: {  	s7 =	rddreg [dreg:$0x15];
	s8 =	simm.s32 $0xB00  }
0x4d: {  	[tilespmem:s8], [sflag:$0x1] =	stream.linear.gather [hbm4b:s7+s29], $0x80, $0x38;
	[tilespmem:$0x17000] =	vst v63  }
0x4e: {  	s9 =	rddreg [dreg:$0x16];
	s10 =	simm.s32 $0xC00  }
0x4f: {  	[tilespmem:s10], [sflag:$0x1] =	stream.linear.gather [hbm4b:s9+s29], $0x80, $0x38;
	[tilespmem:$0x17000] =	vst v63  }
0x50: {  	s11 =	rddreg [dreg:$0x17];
	s12 =	simm.s32 $0xD00  }
0x51: {  	[tilespmem:s12], [sflag:$0x1] =	stream.linear.gather [hbm4b:s11+s29], $0x80, $0x38;
	[tilespmem:$0x17000] =	vst v63  }
0x52: {  	s13 =	rddreg [dreg:$0x18];
	s14 =	simm.s32 $0xE00  }
0x53: {  	[tilespmem:s14], [sflag:$0x1] =	stream.linear.gather [hbm4b:s13+s29], $0x80, $0x38;
	[tilespmem:$0x17000] =	vst v63  }
0x54: {  	s15 =	rddreg [dreg:$0x19];
	s16 =	simm.s32 $0xF00  }
0x55: {  	[tilespmem:s16], [sflag:$0x1] =	stream.linear.gather [hbm4b:s15+s29], $0x80, $0x38;
	[tilespmem:$0x17000] =	vst v63  }
0x56: {  	s17 =	rddreg [dreg:$0x6];
	s18 =	simm.s32 $0x1000  }
0x57: {  	[tilespmem:s18], [sflag:$0x3] =	stream.linear.gather [hbm4b:s17+s29], $0x1000, $0x38;
	[tilespmem:$0x17000] =	vst v63  }
0x58: {  	s2 =	rddreg [dreg:$0x7]  }
0x59: {  	[tilespmem:s28], [sflag:$0x2] =	stream.linear.gather [hbm4b:s2+s29], $0x80, $0x38;
	[tilespmem:$0x17000] =	vst v63  }
0x5a: {  	s20 =	simm.s32 $0x180;
	s19 =	sadd.s32 $0x10, s2  }
0x5b: {  	[tilespmem:s20], [sflag:$0x2] =	stream.linear.gather [hbm4b:s19+s29], $0x80, $0x38;
	[tilespmem:$0x17000] =	vst v63  }
0x5c: {  	s7 =	sadd.s32 $0x20, s2;
	s8 =	simm.s32 $0x280  }
0x5d: {  	[tilespmem:s8], [sflag:$0x2] =	stream.linear.gather [hbm4b:s7+s29], $0x80, $0x38;
	[tilespmem:$0x17000] =	vst v63  }
0x5e: {  	s9 =	sadd.s32 $0x30, s2;
	s10 =	simm.s32 $0x380  }
0x5f: {  	[tilespmem:s10], [sflag:$0x2] =	stream.linear.gather [hbm4b:s9+s29], $0x80, $0x38;
	[tilespmem:$0x17000] =	vst v63  }
0x60: {  	s11 =	sadd.s32 $0x40, s2;
	s12 =	simm.s32 $0x480  }
0x61: {  	[tilespmem:s12], [sflag:$0x2] =	stream.linear.gather [hbm4b:s11+s29], $0x80, $0x38;
	[tilespmem:$0x17000] =	vst v63  }
0x62: {  	s13 =	sadd.s32 $0x50, s2;
	s14 =	simm.s32 $0x580  }
0x63: {  	[tilespmem:s14], [sflag:$0x2] =	stream.linear.gather [hbm4b:s13+s29], $0x80, $0x38;
	[tilespmem:$0x17000] =	vst v63  }
0x64: {  	s15 =	sadd.s32 $0x60, s2;
	s16 =	simm.s32 $0x680  }
0x65: {  	[tilespmem:s16], [sflag:$0x2] =	stream.linear.gather [hbm4b:s15+s29], $0x80, $0x38;
	[tilespmem:$0x17000] =	vst v63  }
0x66: {  	s17 =	sadd.s32 $0x70, s2;
	s18 =	simm.s32 $0x780  }
0x67: {  	[tilespmem:s18], [sflag:$0x2] =	stream.linear.gather [hbm4b:s17+s29], $0x80, $0x38;
	[tilespmem:$0x17000] =	vst v63  }
0x68: {  	s19 =	sadd.s32 $0x80, s2;
	s20 =	simm.s32 $0x880  }
0x69: {  	[tilespmem:s20], [sflag:$0x2] =	stream.linear.gather [hbm4b:s19+s29], $0x80, $0x38;
	[tilespmem:$0x17000] =	vst v63  }
0x6a: {  	s6 =	sadd.s32 $0x90, s2;
	s7 =	simm.s32 $0x980  }
0x6b: {  	[tilespmem:s7], [sflag:$0x2] =	stream.linear.gather [hbm4b:s6+s29], $0x80, $0x38;
	[tilespmem:$0x17000] =	vst v63  }
0x6c: {  	s8 =	sadd.s32 $0xA0, s2;
	s9 =	simm.s32 $0xA80  }
0x6d: {  	[tilespmem:s9], [sflag:$0x2] =	stream.linear.gather [hbm4b:s8+s29], $0x80, $0x38;
	[tilespmem:$0x17000] =	vst v63  }
0x6e: {  	s10 =	sadd.s32 $0xB0, s2;
	s11 =	simm.s32 $0xB80  }
0x6f: {  	[tilespmem:s11], [sflag:$0x2] =	stream.linear.gather [hbm4b:s10+s29], $0x80, $0x38;
	[tilespmem:$0x17000] =	vst v63  }
0x70: {  	s12 =	sadd.s32 $0xC0, s2;
	s13 =	simm.s32 $0xC80  }
0x71: {  	[tilespmem:s13], [sflag:$0x2] =	stream.linear.gather [hbm4b:s12+s29], $0x80, $0x38;
	[tilespmem:$0x17000] =	vst v63  }
0x72: {  	s14 =	sadd.s32 $0xD0, s2;
	s15 =	simm.s32 $0xD80  }
0x73: {  	[tilespmem:s15], [sflag:$0x2] =	stream.linear.gather [hbm4b:s14+s29], $0x80, $0x38;
	[tilespmem:$0x17000] =	vst v63  }
0x74: {  	s16 =	sadd.s32 $0xE0, s2;
	s17 =	simm.s32 $0xE80  }
0x75: {  	[tilespmem:s17], [sflag:$0x2] =	stream.linear.gather [hbm4b:s16+s29], $0x80, $0x38;
	[tilespmem:$0x17000] =	vst v63  }
0x76: {  	s18 =	sadd.s32 $0xF0, s2;
	s19 =	simm.s32 $0xF80  }
0x77: {  	[tilespmem:s19], [sflag:$0x2] =	stream.linear.gather [hbm4b:s18+s29], $0x80, $0x38;
	[tilespmem:$0x17000] =	vst v63  }
0x78: {  	s31 =	simm.s32 $0x0;
	s20 =	rddreg [dreg:$0x8]  }
0x79: {  	[tilespmem:s21], [sflag:$0x4] =	stream.linear.gather [hbm4b:s20+s29], $0x1000, $0x38;
	[tilespmem:$0x17000] =	vst v63  }
.LBB2_4:
0x7a: {  	_ =	swait.ge [sflag:s22], $0x800  }
0x7b: {  	[sflag:s22] =	ssyncset.done $0x0  }
0x7c: {  	[sflag:s22] =	ssyncadd.s32 $0xFFFFF800  }
0x7d: {  	_ =	swait.ge [sflag:s23], $0x1000  }
0x7e: {  	[sflag:s23] =	ssyncset.done $0x0  }
0x7f: {  	s0 =	simm.s32 $0x40;
	[sflag:s23] =	ssyncadd.s32 $0xFFFFF000  }
0x80: {  	v14 =	vld [tilespmem:s0+$0x20]  }
0x81: {  	v15 =	vld [tilespmem:s0+$0x30]  }
0x82: {  	v2 =	vld [tilespmem:s0+$0xFFFFFFC0]  }
0x83: {  	v16 =	vld [tilespmem:s0+$0xFFFFFFD0]  }
0x84: {  	v17 =	vld [tilespmem:s0+$0xFFFFFFE0]  }
0x85: {  	v23 =	vld [tilespmem:s0+$0xFFFFFFF0]  }
0x86: {  	v24 =	vld [tilespmem:s0+$0x0]  }
0x87: {  	s2 =	sand.u32 $0x40, s29;
	s6 =	sand.u32 $0xE00, s29;
	v25 =	vld [tilespmem:s0+$0x10]  }
0x88: {  	s2 =	sor.u32 s2, s6;
	v21 =	vand.u32 $0xFFFF, v14;
	v22 =	vand.u32 $0xFFFF, v15  }
0x89: {  	v27 =	vld [tilespmem:s2+$0x1030];
	v9 =	vand.u32 $0xFFFF, v2;
	v1 =	vshrl.u32 v2, $0x10;
	v7 =	vand.u32 $0x7F, v2  }
0x8a: {  	v32 =	vld [tilespmem:s2+$0x1000];
	v10 =	vand.u32 $0xFFFF, v16;
	v2 =	vshrl.u32 v16, $0x10;
	v8 =	vand.u32 $0xFFFF, v17  }
0x8b: {  	v34 =	vld [tilespmem:s2+$0x1010];
	v3 =	vshrl.u32 v17, $0x10;
	v11 =	vand.u32 $0xFFFF, v23;
	v4 =	vshrl.u32 v23, $0x10  }
0x8c: {  	v12 =	vand.u32 $0xFFFF, v24;
	v5 =	vshrl.u32 v24, $0x10;
	v13 =	vand.u32 $0xFFFF, v25  }
0x8d: {  	v6 =	vshrl.u32 v25, $0x10;
	v20 =	vshrl.u32 v14, $0x10;
	v19 =	vshrl.u32 v15, $0x10  }
0x8e: {  	v35 =	vand.u32 $0x7F, v14;
	v38 =	vand.u32 $0x7F, v15;
	v39 =	vshll.u32 v27, $0x10  }
0x8f: {  	v27 =	vand.u32 $0xFFFF0000, v27;
	v50 =	vshll.u32 v32, $0x10;
	v32 =	vand.u32 $0xFFFF0000, v32  }
0x90: {  	v14 =	vld [tilespmem:s2+$0x1020];
	v52 =	vshll.u32 v34, $0x10;
	v34 =	vand.u32 $0xFFFF0000, v34;
	v18 =	vadd.s32 $0x2800, v9  }
0x91: {  	v26 =	vadd.s32 $0x2800, v10;
	v28 =	vadd.s32 $0x2800, v8;
	v30 =	vadd.s32 $0x2800, v11;
	v29 =	vld.idx.msk [tilespmem:v21+s30+$0x0], $0xffff  }
0x92: {  	v33 =	vadd.s32 $0x2800, v12;
	v36 =	vadd.s32 $0x2800, v21;
	v37 =	vadd.s32 $0x2800, v22;
	v31 =	vld.idx.msk [tilespmem:v22+s30+$0x0], $0xffff  }
0x93: {  	v56 =	vadd.s32 $0x2800, v20;
	v43 =	vand.u32 $0x7F, v20;
	v44 =	vadd.s32 $0x2800, v19;
	v15 =	vld.idx.msk [tilespmem:v9+s30+$0x0], $0xffff  }
0x94: {  	v46 =	vand.u32 $0x7F, v19;
	v48 =	vadd.s32 $0x5000, v21;
	v49 =	vadd.s32 $0x5000, v22;
	v40 =	vld.idx.msk [tilespmem:v10+s30+$0x0], $0xffff  }
0x95: {  	v36 =	vand.u32 $0x1FF80, v36;
	v37 =	vand.u32 $0x1FF80, v37;
	v54 =	vand.u32 $0x1FF80, v18;
	v41 =	vld.idx.msk [tilespmem:v8+s30+$0x0], $0xffff  }
0x96: {  	v26 =	vand.u32 $0x1FF80, v26;
	v28 =	vand.u32 $0x1FF80, v28;
	v30 =	vand.u32 $0x1FF80, v30;
	v57 =	vld.idx.msk [tilespmem:v11+s30+$0x0], $0xffff  }
0x97: {  	v33 =	vand.u32 $0x1FF80, v33;
	v36 =	vor.u32 v35, v36;
	v45 =	vld.idx.msk [tilespmem:v12+s30+$0x0], $0xffff;
	v29 =	vmul.f32 v39, v29  }
0x98: {  	v44 =	vand.u32 $0x1FF80, v44;
	v48 =	vand.u32 $0x1FF80, v48;
	v47 =	vld.idx.msk [tilespmem:v13+s30+$0x0], $0xffff;
	v27 =	vmul.f32 v27, v31  }
0x99: {  	v49 =	vand.u32 $0x1FF80, v49;
	v51 =	vor.u32 v38, v37;
	v44 =	vor.u32 v46, v44;
	[tilespmem:v20+s24+$0x0] =	vst.idx.add.f32.msk $0xffff, v29  }
0x9a: {  	v58 =	vor.u32 v35, v48;
	v61 =	vor.u32 v38, v49;
	v49 =	vadd.s32 $0x5000, v19;
	[tilespmem:v19+s24+$0x0] =	vst.idx.add.f32.msk $0xffff, v27  }
0x9b: {  	v53 =	vshll.u32 v14, $0x10;
	v42 =	vand.u32 $0xFFFF0000, v14;
	v15 =	vmul.f32 v50, v15;
	v18 =	vld [tilespmem:s2+$0x10B0]  }
0x9c: {  	v14 =	vadd.s32 $0x2800, v13;
	v21 =	vadd.s32 $0x7800, v21;
	v22 =	vadd.s32 $0x7800, v22;
	v36 =	vld.idx.msk [tilespmem:v36+s30+$0x0], $0xffff  }
0x9d: {  	v55 =	vand.u32 $0x1FF80, v14;
	v31 =	vand.u32 $0x1FF80, v56;
	v37 =	vmul.f32 v52, v41;
	[tilespmem:v1+s24+$0x0] =	vst.idx.add.f32.msk $0xffff, v15  }
0x9e: {  	v21 =	vand.u32 $0x1FF80, v21;
	v32 =	vmul.f32 v32, v40;
	v31 =	vor.u32 v43, v31;
	v14 =	vld.idx.msk [tilespmem:v51+s30+$0x0], $0xffff  }
0x9f: {  	v22 =	vand.u32 $0x1FF80, v22;
	v21 =	vor.u32 v35, v21;
	v34 =	vmul.f32 v34, v57;
	[tilespmem:v3+s24+$0x0] =	vst.idx.add.f32.msk $0xffff, v37  }
0xa0: {  	p0 =	por $0x0, $0x0;
	s0 =	simm.s32 $0x1;
	v22 =	vor.u32 v38, v22;
	v62 =	vmul.f32 v42, v47;
	[tilespmem:v2+s24+$0x0] =	vst.idx.add.f32.msk $0xffff, v32;
	v15 =	vshll.u32 v18, $0x10  }
0xa1: {  	s0 =	simm.s32 @!p0 $0x0;
	v47 =	vadd.s32 $0x5000, v20;
	v56 =	vadd.s32 $0x2800, v2;
	[tilespmem:v4+s24+$0x0] =	vst.idx.add.f32.msk $0xffff, v34;
	v15 =	vmul.f32 v15, v36  }
0xa2: {  	s0 =	sshll.u32 s0, $0x6;
	v57 =	vadd.s32 $0x2800, v3;
	v48 =	vand.u32 $0x1FF80, v47;
	v59 =	vld [tilespmem:s2+$0x1080];
	v18 =	vand.u32 $0xFFFF0000, v18  }
0xa3: {  	s0 =	sadd.s32 $0x0, s0;
	v38 =	vand.u32 $0x1FF80, v57;
	v50 =	vor.u32 v43, v48;
	v60 =	vmul.f32 v18, v14;
	[tilespmem:v31+s24+$0x0] =	vst.idx.add.f32.msk $0xffff, v15  }
0xa4: {  	s14 =	sadd.s32 $0x30, s0;
	v20 =	vadd.s32 $0x7800, v20;
	v15 =	vand.u32 $0x7F, v23;
	v23 =	vmul.f32 v53, v45;
	v53 =	vld [tilespmem:s2+$0x1090]  }
0xa5: {  	s7 =	sor.u32 $0x100, s14;
	v48 =	vadd.s32 $0x5000, v1;
	v20 =	vand.u32 $0x1FF80, v20;
	v51 =	vand.u32 $0x1FF80, v49;
	[tilespmem:v44+s24+$0x0] =	vst.idx.add.f32.msk $0xffff, v60  }
0xa6: {  	v43 =	vor.u32 v43, v20;
	v20 =	vand.u32 $0x7F, v3;
	v18 =	vand.u32 $0x7F, v16;
	v63 =	vld [tilespmem:s7+$0x1000]  }
0xa7: {  	v38 =	vor.u32 v20, v38;
	v14 =	vand.u32 $0x7F, v17;
	v26 =	vor.u32 v18, v26;
	v44 =	vld.idx.msk [tilespmem:v58+s30+$0x0], $0xffff  }
0xa8: {  	v16 =	vand.u32 $0x7F, v24;
	v17 =	vand.u32 $0x7F, v25;
	v28 =	vor.u32 v14, v28;
	v45 =	vld.idx.msk [tilespmem:v61+s30+$0x0], $0xffff  }
0xa9: {  	v24 =	vor.u32 v7, v54;
	v54 =	vadd.s32 $0x2800, v1;
	v32 =	vor.u32 v17, v55;
	[tilespmem:v5+s24+$0x0] =	vst.idx.add.f32.msk $0xffff, v23  }
0xaa: {  	v40 =	vshll.u32 v59, $0x10;
	v36 =	vand.u32 $0xFFFF0000, v59;
	v59 =	vand.u32 $0x1FF80, v54;
	[tilespmem:v6+s24+$0x0] =	vst.idx.add.f32.msk $0xffff, v62  }
0xab: {  	v31 =	vor.u32 v16, v33;
	v33 =	vand.u32 $0x1FF80, v56;
	v56 =	vadd.s32 $0x5000, v10;
	v55 =	vld [tilespmem:s2+$0x10A0]  }
0xac: {  	v10 =	vadd.s32 $0x7800, v10;
	v29 =	vor.u32 v15, v30;
	v60 =	vadd.s32 $0x2800, v5;
	v26 =	vld.idx.msk [tilespmem:v26+s30+$0x0], $0xffff  }
0xad: {  	v10 =	vand.u32 $0x1FF80, v10;
	v23 =	vor.u32 v46, v51;
	v58 =	vadd.s32 $0x2800, v4;
	v28 =	vld.idx.msk [tilespmem:v28+s30+$0x0], $0xffff  }
0xae: {  	v61 =	vadd.s32 $0x2800, v6;
	v32 =	vld.idx.msk [tilespmem:v32+s30+$0x0], $0xffff;
	v62 =	vshll.u32 v53, $0x10;
	v52 =	vshll.u32 v63, $0x10  }
0xaf: {  	v37 =	vand.u32 $0xFFFF0000, v53;
	v53 =	vld.idx.msk [tilespmem:v24+s30+$0x0], $0xffff;
	v25 =	vand.u32 $0xFFFF0000, v63;
	v27 =	vmul.f32 v52, v44  }
0xb0: {  	v30 =	vand.u32 $0x1FF80, v60;
	v10 =	vor.u32 v18, v10;
	v31 =	vld.idx.msk [tilespmem:v31+s30+$0x0], $0xffff;
	v25 =	vmul.f32 v25, v45  }
0xb1: {  	v39 =	vand.u32 $0x1FF80, v58;
	v34 =	vand.u32 $0x1FF80, v61;
	v24 =	vand.u32 $0x7F, v6;
	[tilespmem:v50+s24+$0x0] =	vst.idx.add.f32.msk $0xffff, v27  }
0xb2: {  	v58 =	vadd.s32 $0x5000, v8;
	v34 =	vor.u32 v24, v34;
	[tilespmem:v23+s24+$0x0] =	vst.idx.add.f32.msk $0xffff, v25;
	v23 =	vand.u32 $0x7F, v5  }
0xb3: {  	v44 =	vld.idx.msk [tilespmem:v21+s30+$0x0], $0xffff;
	v21 =	vadd.s32 $0x7800, v19;
	v19 =	vand.u32 $0x7F, v1;
	v30 =	vor.u32 v23, v30  }
0xb4: {  	v29 =	vld.idx.msk [tilespmem:v29+s30+$0x0], $0xffff;
	v63 =	vshll.u32 v55, $0x10;
	v28 =	vmul.f32 v62, v28;
	v27 =	vor.u32 v19, v59  }
0xb5: {  	v35 =	vand.u32 $0xFFFF0000, v55;
	v52 =	vld.idx.msk [tilespmem:v22+s30+$0x0], $0xffff;
	v22 =	vand.u32 $0x1FF80, v21;
	v21 =	vand.u32 $0x7F, v2  }
0xb6: {  	s15 =	sor.u32 $0x180, s14;
	v62 =	vadd.s32 $0x5000, v13;
	v60 =	vmul.f32 v63, v31;
	[tilespmem:v38+s24+$0x0] =	vst.idx.add.f32.msk $0xffff, v28;
	v33 =	vor.u32 v21, v33  }
0xb7: {  	v40 =	vmul.f32 v40, v53;
	v32 =	vmul.f32 v35, v32;
	v47 =	vand.u32 $0x1FF80, v62;
	v41 =	vld [tilespmem:s15+$0x1000]  }
0xb8: {  	v31 =	vor.u32 v17, v47;
	v25 =	vor.u32 v46, v22;
	v22 =	vand.u32 $0x7F, v4;
	[tilespmem:v30+s24+$0x0] =	vst.idx.add.f32.msk $0xffff, v60  }
0xb9: {  	v55 =	vadd.s32 $0x5000, v9;
	v26 =	vmul.f32 v36, v26;
	v39 =	vor.u32 v22, v39;
	[tilespmem:v27+s24+$0x0] =	vst.idx.add.f32.msk $0xffff, v40  }
0xba: {  	s18 =	sadd.s32 $0x20, s0;
	v61 =	vadd.s32 $0x5000, v12;
	v8 =	vadd.s32 $0x7800, v8;
	v63 =	vand.u32 $0x1FF80, v55;
	[tilespmem:v34+s24+$0x0] =	vst.idx.add.f32.msk $0xffff, v32  }
0xbb: {  	s19 =	sor.u32 $0x100, s18;
	v12 =	vadd.s32 $0x7800, v12;
	v36 =	vand.u32 $0x1FF80, v56;
	v28 =	vor.u32 v7, v63;
	[tilespmem:v33+s24+$0x0] =	vst.idx.add.f32.msk $0xffff, v26  }
0xbc: {  	v8 =	vand.u32 $0x1FF80, v8;
	v57 =	vmul.f32 v37, v29;
	v46 =	vor.u32 v18, v36;
	v55 =	vld [tilespmem:s19+$0x1000]  }
0xbd: {  	v8 =	vor.u32 v14, v8;
	v45 =	vand.u32 $0x1FF80, v61;
	v59 =	vadd.s32 $0x5000, v11;
	v31 =	vld.idx.msk [tilespmem:v31+s30+$0x0], $0xffff  }
0xbe: {  	s17 =	sor.u32 $0x100, s0;
	v56 =	vadd.s32 $0x5000, v6;
	v9 =	vadd.s32 $0x7800, v9;
	v42 =	vand.u32 $0x1FF80, v59;
	[tilespmem:v39+s24+$0x0] =	vst.idx.add.f32.msk $0xffff, v57  }
0xbf: {  	v29 =	vor.u32 v15, v42;
	v54 =	vshll.u32 v41, $0x10;
	v40 =	vand.u32 $0x1FF80, v58;
	v49 =	vld [tilespmem:s17+$0x1000]  }
0xc0: {  	v13 =	vadd.s32 $0x7800, v13;
	v44 =	vmul.f32 v54, v44;
	v27 =	vor.u32 v14, v40;
	v28 =	vld.idx.msk [tilespmem:v28+s30+$0x0], $0xffff  }
0xc1: {  	s16 =	sadd.s32 $0x10, s0;
	v50 =	vadd.s32 $0x5000, v2;
	v32 =	vand.u32 $0x1FF80, v48;
	v26 =	vor.u32 v16, v45;
	v30 =	vld.idx.msk [tilespmem:v46+s30+$0x0], $0xffff  }
0xc2: {  	s8 =	sor.u32 $0x100, s16;
	v53 =	vadd.s32 $0x5000, v4;
	v34 =	vand.u32 $0x1FF80, v50;
	v32 =	vor.u32 v19, v32;
	[tilespmem:v43+s24+$0x0] =	vst.idx.add.f32.msk $0xffff, v44  }
0xc3: {  	v9 =	vand.u32 $0x1FF80, v9;
	v41 =	vand.u32 $0xFFFF0000, v41;
	v34 =	vor.u32 v21, v34;
	v51 =	vld [tilespmem:s8+$0x1000]  }
0xc4: {  	v7 =	vor.u32 v7, v9;
	v41 =	vmul.f32 v41, v52;
	v29 =	vld.idx.msk [tilespmem:v29+s30+$0x0], $0xffff;
	v57 =	vshll.u32 v49, $0x10  }
0xc5: {  	v52 =	vadd.s32 $0x5000, v3;
	v27 =	vld.idx.msk [tilespmem:v27+s30+$0x0], $0xffff;
	v33 =	vand.u32 $0xFFFF0000, v49;
	v28 =	vmul.f32 v57, v28  }
0xc6: {  	v54 =	vadd.s32 $0x5000, v5;
	v36 =	vand.u32 $0x1FF80, v52;
	v26 =	vld.idx.msk [tilespmem:v26+s30+$0x0], $0xffff;
	v30 =	vmul.f32 v33, v30  }
0xc7: {  	v37 =	vand.u32 $0x1FF80, v53;
	v38 =	vand.u32 $0x1FF80, v54;
	v36 =	vor.u32 v20, v36;
	[tilespmem:v32+s24+$0x0] =	vst.idx.add.f32.msk $0xffff, v28  }
0xc8: {  	s0 =	sor.u32 $0x180, s0;
	v9 =	vand.u32 $0x1FF80, v12;
	v12 =	vand.u32 $0x1FF80, v13;
	v38 =	vor.u32 v23, v38;
	[tilespmem:v34+s24+$0x0] =	vst.idx.add.f32.msk $0xffff, v30  }
0xc9: {  	v37 =	vor.u32 v22, v37;
	v40 =	vand.u32 $0x1FF80, v56;
	v58 =	vshll.u32 v51, $0x10;
	v13 =	vld [tilespmem:s0+$0x1000]  }
0xca: {  	v40 =	vor.u32 v24, v40;
	v59 =	vshll.u32 v55, $0x10;
	v27 =	vmul.f32 v58, v27;
	v62 =	vld.idx.msk [tilespmem:v7+s30+$0x0], $0xffff  }
0xcb: {  	v6 =	vadd.s32 $0x7800, v6;
	v35 =	vand.u32 $0xFFFF0000, v51;
	v26 =	vmul.f32 v59, v26;
	v63 =	vld.idx.msk [tilespmem:v10+s30+$0x0], $0xffff  }
0xcc: {  	v11 =	vadd.s32 $0x7800, v11;
	v39 =	vand.u32 $0xFFFF0000, v55;
	v60 =	vmul.f32 v35, v29;
	[tilespmem:v36+s24+$0x0] =	vst.idx.add.f32.msk $0xffff, v27  }
0xcd: {  	v9 =	vor.u32 v16, v9;
	v11 =	vand.u32 $0x1FF80, v11;
	v61 =	vmul.f32 v39, v31;
	[tilespmem:v38+s24+$0x0] =	vst.idx.add.f32.msk $0xffff, v26  }
0xce: {  	v1 =	vadd.s32 $0x7800, v1;
	v12 =	vor.u32 v17, v12;
	v14 =	vor.u32 v15, v11;
	[tilespmem:v37+s24+$0x0] =	vst.idx.add.f32.msk $0xffff, v60  }
0xcf: {  	s2 =	sor.u32 $0x180, s16;
	v2 =	vadd.s32 $0x7800, v2;
	v1 =	vand.u32 $0x1FF80, v1;
	v4 =	vadd.s32 $0x7800, v4;
	[tilespmem:v40+s24+$0x0] =	vst.idx.add.f32.msk $0xffff, v61  }
0xd0: {  	s20 =	sor.u32 $0x180, s18;
	v2 =	vand.u32 $0x1FF80, v2;
	v3 =	vadd.s32 $0x7800, v3;
	v5 =	vadd.s32 $0x7800, v5;
	v15 =	vld [tilespmem:s2+$0x1000]  }
0xd1: {  	v3 =	vand.u32 $0x1FF80, v3;
	v11 =	vor.u32 v19, v1;
	v7 =	vand.u32 $0x1FF80, v5;
	v18 =	vld [tilespmem:s20+$0x1000]  }
0xd2: {  	v16 =	vor.u32 v21, v2;
	v2 =	vand.u32 $0x1FF80, v6;
	v1 =	vor.u32 v23, v7;
	v7 =	vld.idx.msk [tilespmem:v8+s30+$0x0], $0xffff  }
0xd3: {  	v4 =	vand.u32 $0x1FF80, v4;
	v6 =	vor.u32 v20, v3;
	v2 =	vor.u32 v24, v2;
	v10 =	vld.idx.msk [tilespmem:v14+s30+$0x0], $0xffff  }
0xd4: {  	v5 =	vor.u32 v22, v4;
	v17 =	vld.idx.msk [tilespmem:v9+s30+$0x0], $0xffff;
	v3 =	vshll.u32 v13, $0x10;
	v4 =	vand.u32 $0xFFFF0000, v13  }
0xd5: {  	s6 =	simm.s32 $0x0;
	v14 =	vld.idx.msk [tilespmem:v12+s30+$0x0], $0xffff;
	v12 =	vmul.f32 v3, v62;
	v23 =	vmul.f32 v4, v63;
	v8 =	vshll.u32 v15, $0x10  }
0xd6: {  	s7 =	simm.s32 $0x0;
	[tilespmem:v25+s24+$0x0] =	vst.idx.add.f32.msk $0xffff, v41;
	s0 =	simm.s32 $0x0;
	s2 =	simm.s32 $0x140;
	v15 =	vand.u32 $0xFFFF0000, v15;
	v13 =	vshll.u32 v18, $0x10;
	v9 =	vand.u32 $0xFFFF0000, v18  }
.LBB2_5:
0xd7: {  	v27 =	vld [tilespmem:s2+$0x20];
	v8 =	vmul.f32 v8, v7  }
0xd8: {  	v7 =	vmul.f32 v15, v10;
	v34 =	vld [tilespmem:s2+$0x30]  }
0xd9: {  	v4 =	vmul.f32 v13, v17;
	v10 =	vld [tilespmem:s2+$0xFFFFFFC0]  }
0xda: {  	v3 =	vmul.f32 v9, v14;
	v24 =	vld [tilespmem:s2+$0xFFFFFFD0]  }
0xdb: {  	v36 =	vld [tilespmem:s2+$0xFFFFFFE0]  }
0xdc: {  	v25 =	vld [tilespmem:s2+$0xFFFFFFF0];
	v30 =	vand.u32 $0xFFFF, v27  }
0xdd: {  	s6 =	sadd.s32 $0x100, s6;
	s7 =	sadd.s32 $0x40, s7;
	v26 =	vld [tilespmem:s2+$0x0];
	v32 =	vand.u32 $0xFFFF, v34  }
0xde: {  	s0 =	sadd.s32 $0x4, s0;
	s8 =	sand.u32 $0x40, s7;
	s9 =	sand.u32 $0xE00, s6;
	v17 =	vand.u32 $0xFFFF, v10;
	v9 =	vshrl.u32 v10, $0x10;
	v13 =	vand.u32 $0x7F, v10;
	v28 =	vld [tilespmem:s2+$0x10]  }
0xdf: {  	p1 =	slt.u32 s0, $0x3C;
	s11 =	sor.u32 s8, s9;
	v18 =	vand.u32 $0xFFFF, v24;
	v10 =	vshrl.u32 v24, $0x10;
	v35 =	vadd.s32 $0x2800, v17;
	[tilespmem:v11+s24+$0x0] =	vst.idx.add.f32.msk $0xffff, v12  }
0xe0: {  	v37 =	vadd.s32 $0x2800, v18;
	v19 =	vand.u32 $0xFFFF, v36;
	v11 =	vshrl.u32 v36, $0x10;
	v38 =	vld [tilespmem:s11+$0x1030]  }
0xe1: {  	v20 =	vand.u32 $0xFFFF, v25;
	v12 =	vshrl.u32 v25, $0x10;
	v39 =	vadd.s32 $0x2800, v19;
	v40 =	vld.idx.msk [tilespmem:v30+s30+$0x0], $0xffff  }
0xe2: {  	v41 =	vadd.s32 $0x2800, v20;
	v21 =	vand.u32 $0xFFFF, v26;
	v14 =	vshrl.u32 v26, $0x10;
	v42 =	vld.idx.msk [tilespmem:v32+s30+$0x0], $0xffff  }
0xe3: {  	v43 =	vld [tilespmem:s11+$0x1000];
	v22 =	vand.u32 $0xFFFF, v28;
	v15 =	vshrl.u32 v28, $0x10;
	v44 =	vadd.s32 $0x2800, v21  }
0xe4: {  	v31 =	vshrl.u32 v27, $0x10;
	v33 =	vand.u32 $0x7F, v27;
	v29 =	vshrl.u32 v34, $0x10;
	v45 =	vld [tilespmem:s11+$0x1010]  }
0xe5: {  	v46 =	vadd.s32 $0x2800, v30;
	v34 =	vand.u32 $0x7F, v34;
	v47 =	vadd.s32 $0x2800, v32;
	v27 =	vld [tilespmem:s11+$0x1020]  }
0xe6: {  	v46 =	vand.u32 $0x1FF80, v46;
	v49 =	vshll.u32 v38, $0x10;
	v38 =	vand.u32 $0xFFFF0000, v38;
	v48 =	vld.idx.msk [tilespmem:v17+s30+$0x0], $0xffff  }
0xe7: {  	v46 =	vor.u32 v33, v46;
	v47 =	vand.u32 $0x1FF80, v47;
	v40 =	vmul.f32 v49, v40;
	v50 =	vld.idx.msk [tilespmem:v18+s30+$0x0], $0xffff  }
0xe8: {  	v38 =	vmul.f32 v38, v42;
	v42 =	vor.u32 v34, v47;
	v49 =	vshll.u32 v43, $0x10;
	v51 =	vld.idx.msk [tilespmem:v19+s30+$0x0], $0xffff  }
0xe9: {  	v43 =	vand.u32 $0xFFFF0000, v43;
	v47 =	vshll.u32 v45, $0x10;
	v45 =	vand.u32 $0xFFFF0000, v45;
	[tilespmem:v31+s24+$0x0] =	vst.idx.add.f32.msk $0xffff, v40  }
0xea: {  	v40 =	vshll.u32 v27, $0x10;
	v52 =	vand.u32 $0xFFFF0000, v27;
	v27 =	vadd.s32 $0x2800, v22;
	[tilespmem:v29+s24+$0x0] =	vst.idx.add.f32.msk $0xffff, v38  }
0xeb: {  	v53 =	vand.u32 $0x1FF80, v37;
	v39 =	vand.u32 $0x1FF80, v39;
	v38 =	vand.u32 $0x1FF80, v35;
	v54 =	vld [tilespmem:s11+$0x10B0]  }
0xec: {  	v41 =	vand.u32 $0x1FF80, v41;
	v44 =	vand.u32 $0x1FF80, v44;
	v48 =	vmul.f32 v49, v48;
	v46 =	vld.idx.msk [tilespmem:v46+s30+$0x0], $0xffff  }
0xed: {  	v35 =	vadd.s32 $0x2800, v31;
	v49 =	vand.u32 $0x1FF80, v27;
	v43 =	vmul.f32 v43, v50;
	v27 =	vld.idx.msk [tilespmem:v42+s30+$0x0], $0xffff  }
0xee: {  	v55 =	vadd.s32 $0x2800, v29;
	v37 =	vand.u32 $0x7F, v31;
	v50 =	vand.u32 $0x1FF80, v35;
	v42 =	vld.idx.msk [tilespmem:v20+s30+$0x0], $0xffff  }
0xef: {  	v55 =	vand.u32 $0x1FF80, v55;
	v35 =	vand.u32 $0x7F, v29;
	v50 =	vor.u32 v37, v50;
	v56 =	vld.idx.msk [tilespmem:v21+s30+$0x0], $0xffff  }
0xf0: {  	p0 =	por !p0, !p0;
	s8 =	simm.s32 $0x1;
	v58 =	vadd.s32 $0x5000, v30;
	v59 =	vadd.s32 $0x5000, v32;
	v55 =	vor.u32 v35, v55;
	v57 =	vld.idx.msk [tilespmem:v22+s30+$0x0], $0xffff  }
0xf1: {  	s8 =	simm.s32 @!p0 $0x0;
	v58 =	vand.u32 $0x1FF80, v58;
	v59 =	vand.u32 $0x1FF80, v59;
	[tilespmem:v9+s24+$0x0] =	vst.idx.add.f32.msk $0xffff, v48;
	v48 =	vshll.u32 v54, $0x10  }
0xf2: {  	s8 =	sshll.u32 s8, $0x6;
	[tilespmem:v10+s24+$0x0] =	vst.idx.add.f32.msk $0xffff, v43;
	v43 =	vand.u32 $0xFFFF0000, v54;
	v46 =	vmul.f32 v48, v46;
	v48 =	vor.u32 v33, v58  }
0xf3: {  	s10 =	sadd.s32 s8, s6;
	v47 =	vmul.f32 v47, v51;
	v51 =	vor.u32 v34, v59;
	v54 =	vld [tilespmem:s11+$0x1080];
	v43 =	vmul.f32 v43, v27  }
0xf4: {  	s8 =	sadd.s32 $0x10, s10;
	s16 =	sadd.s32 $0x20, s10;
	s15 =	sadd.s32 $0x30, s10;
	v27 =	vand.u32 $0x7F, v24;
	v42 =	vmul.f32 v45, v42;
	v24 =	vand.u32 $0x7F, v36;
	[tilespmem:v50+s24+$0x0] =	vst.idx.add.f32.msk $0xffff, v46  }
0xf5: {  	s13 =	sor.u32 $0x100, s8;
	s12 =	sor.u32 $0x100, s16;
	s17 =	sor.u32 $0x100, s15;
	v25 =	vand.u32 $0x7F, v25;
	v26 =	vand.u32 $0x7F, v26;
	v36 =	vmul.f32 v40, v56;
	[tilespmem:v55+s24+$0x0] =	vst.idx.add.f32.msk $0xffff, v43  }
0xf6: {  	s14 =	sor.u32 $0x100, s10;
	s9 =	sor.u32 $0x180, s8;
	s8 =	sor.u32 $0x180, s16;
	v28 =	vand.u32 $0x7F, v28;
	v38 =	vor.u32 v13, v38;
	v40 =	vmul.f32 v52, v57;
	v43 =	vld [tilespmem:s17+$0x1000]  }
0xf7: {  	s10 =	sor.u32 $0x180, s10;
	v41 =	vor.u32 v25, v41;
	v45 =	vor.u32 v27, v53;
	v39 =	vor.u32 v24, v39;
	v46 =	vld.idx.msk [tilespmem:v48+s30+$0x0], $0xffff  }
0xf8: {  	v44 =	vor.u32 v26, v44;
	v50 =	vadd.s32 $0x5000, v31;
	v48 =	vor.u32 v28, v49;
	v49 =	vld.idx.msk [tilespmem:v51+s30+$0x0], $0xffff  }
0xf9: {  	v51 =	vshll.u32 v54, $0x10;
	[tilespmem:v11+s24+$0x0] =	vst.idx.add.f32.msk $0xffff, v47;
	v47 =	vand.u32 $0x1FF80, v50;
	v50 =	vadd.s32 $0x5000, v29  }
0xfa: {  	v52 =	vand.u32 $0xFFFF0000, v54;
	[tilespmem:v12+s24+$0x0] =	vst.idx.add.f32.msk $0xffff, v42;
	v42 =	vor.u32 v37, v47;
	v47 =	vand.u32 $0x1FF80, v50  }
0xfb: {  	v30 =	vadd.s32 $0x7800, v30;
	v32 =	vadd.s32 $0x7800, v32;
	[tilespmem:v14+s24+$0x0] =	vst.idx.add.f32.msk $0xffff, v36;
	v36 =	vor.u32 v35, v47  }
0xfc: {  	v30 =	vand.u32 $0x1FF80, v30;
	v32 =	vand.u32 $0x1FF80, v32;
	[tilespmem:v15+s24+$0x0] =	vst.idx.add.f32.msk $0xffff, v40;
	v40 =	vshll.u32 v43, $0x10  }
0xfd: {  	v30 =	vor.u32 v33, v30;
	v43 =	vand.u32 $0xFFFF0000, v43;
	v47 =	vld [tilespmem:s11+$0x1090];
	v40 =	vmul.f32 v40, v46  }
0xfe: {  	v32 =	vor.u32 v34, v32;
	v33 =	vadd.s32 $0x2800, v9;
	v43 =	vmul.f32 v43, v49;
	v46 =	vld [tilespmem:s11+$0x10A0]  }
0xff: {  	v34 =	vadd.s32 $0x2800, v10;
	v50 =	vadd.s32 $0x2800, v12;
	v49 =	vadd.s32 $0x2800, v11;
	[tilespmem:v42+s24+$0x0] =	vst.idx.add.f32.msk $0xffff, v40  }
0x100: {  	s11 =	sor.u32 $0x180, s15;
	v40 =	vand.u32 $0x1FF80, v33;
	v33 =	vadd.s32 $0x2800, v14;
	v42 =	vadd.s32 $0x2800, v15;
	[tilespmem:v36+s24+$0x0] =	vst.idx.add.f32.msk $0xffff, v43  }
0x101: {  	v36 =	vand.u32 $0x1FF80, v34;
	v43 =	vand.u32 $0x1FF80, v49;
	v49 =	vand.u32 $0x1FF80, v50;
	v50 =	vld [tilespmem:s11+$0x1000]  }
0x102: {  	v54 =	vand.u32 $0x1FF80, v33;
	v53 =	vshll.u32 v47, $0x10;
	v47 =	vand.u32 $0xFFFF0000, v47;
	v55 =	vld.idx.msk [tilespmem:v30+s30+$0x0], $0xffff  }
0x103: {  	v30 =	vadd.s32 $0x7800, v31;
	v56 =	vshll.u32 v46, $0x10;
	v46 =	vand.u32 $0xFFFF0000, v46;
	v57 =	vld.idx.msk [tilespmem:v32+s30+$0x0], $0xffff  }
0x104: {  	v42 =	vand.u32 $0x1FF80, v42;
	v31 =	vadd.s32 $0x7800, v29;
	v30 =	vand.u32 $0x1FF80, v30;
	v38 =	vld.idx.msk [tilespmem:v38+s30+$0x0], $0xffff  }
0x105: {  	v29 =	vand.u32 $0x7F, v9;
	v31 =	vand.u32 $0x1FF80, v31;
	v37 =	vor.u32 v37, v30;
	v45 =	vld.idx.msk [tilespmem:v45+s30+$0x0], $0xffff  }
0x106: {  	v32 =	vand.u32 $0x7F, v10;
	v30 =	vand.u32 $0x7F, v11;
	v35 =	vor.u32 v35, v31;
	v39 =	vld.idx.msk [tilespmem:v39+s30+$0x0], $0xffff  }
0x107: {  	v33 =	vand.u32 $0x7F, v14;
	v31 =	vand.u32 $0x7F, v12;
	v58 =	vshll.u32 v50, $0x10;
	v41 =	vld.idx.msk [tilespmem:v41+s30+$0x0], $0xffff  }
0x108: {  	v34 =	vand.u32 $0x7F, v15;
	v50 =	vand.u32 $0xFFFF0000, v50;
	v55 =	vmul.f32 v58, v55;
	v44 =	vld.idx.msk [tilespmem:v44+s30+$0x0], $0xffff  }
0x109: {  	v40 =	vor.u32 v29, v40;
	v36 =	vor.u32 v32, v36;
	v50 =	vmul.f32 v50, v57;
	v48 =	vld.idx.msk [tilespmem:v48+s30+$0x0], $0xffff  }
0x10a: {  	v43 =	vor.u32 v30, v43;
	v38 =	vmul.f32 v51, v38;
	v51 =	vadd.s32 $0x5000, v17;
	[tilespmem:v37+s24+$0x0] =	vst.idx.add.f32.msk $0xffff, v55  }
0x10b: {  	v49 =	vor.u32 v31, v49;
	v37 =	vmul.f32 v52, v45;
	v45 =	vadd.s32 $0x5000, v18;
	[tilespmem:v35+s24+$0x0] =	vst.idx.add.f32.msk $0xffff, v50  }
0x10c: {  	v42 =	vor.u32 v34, v42;
	v35 =	vmul.f32 v53, v39;
	v39 =	vor.u32 v33, v54  }
0x10d: {  	v50 =	vadd.s32 $0x5000, v20;
	v41 =	vmul.f32 v47, v41;
	v47 =	vadd.s32 $0x5000, v19;
	[tilespmem:v16+s24+$0x0] =	vst.idx.add.f32.msk $0xffff, v23  }
0x10e: {  	v16 =	vmul.f32 v56, v44;
	v23 =	vadd.s32 $0x5000, v21;
	[tilespmem:v40+s24+$0x0] =	vst.idx.add.f32.msk $0xffff, v38;
	v38 =	vadd.s32 $0x5000, v22  }
0x10f: {  	v40 =	vmul.f32 v46, v48;
	[tilespmem:v36+s24+$0x0] =	vst.idx.add.f32.msk $0xffff, v37;
	v36 =	vand.u32 $0x1FF80, v51;
	v37 =	vand.u32 $0x1FF80, v45  }
0x110: {  	v23 =	vand.u32 $0x1FF80, v23;
	[tilespmem:v43+s24+$0x0] =	vst.idx.add.f32.msk $0xffff, v35;
	v35 =	vand.u32 $0x1FF80, v47;
	v43 =	vand.u32 $0x1FF80, v50  }
0x111: {  	v38 =	vand.u32 $0x1FF80, v38;
	v36 =	vor.u32 v13, v36;
	v37 =	vor.u32 v27, v37;
	[tilespmem:v49+s24+$0x0] =	vst.idx.add.f32.msk $0xffff, v41  }
0x112: {  	v41 =	vadd.s32 $0x5000, v9;
	v35 =	vor.u32 v24, v35;
	v43 =	vor.u32 v25, v43;
	[tilespmem:v39+s24+$0x0] =	vst.idx.add.f32.msk $0xffff, v16  }
0x113: {  	v23 =	vor.u32 v26, v23;
	v38 =	vor.u32 v28, v38;
	v16 =	vadd.s32 $0x5000, v10;
	[tilespmem:v42+s24+$0x0] =	vst.idx.add.f32.msk $0xffff, v40  }
0x114: {  	v44 =	vadd.s32 $0x5000, v14;
	v40 =	vadd.s32 $0x5000, v11;
	v42 =	vadd.s32 $0x5000, v12;
	v39 =	vld [tilespmem:s14+$0x1000]  }
0x115: {  	v46 =	vadd.s32 $0x5000, v15;
	v41 =	vand.u32 $0x1FF80, v41;
	v16 =	vand.u32 $0x1FF80, v16;
	v45 =	vld [tilespmem:s13+$0x1000]  }
0x116: {  	v44 =	vand.u32 $0x1FF80, v44;
	v40 =	vand.u32 $0x1FF80, v40;
	v42 =	vand.u32 $0x1FF80, v42;
	v47 =	vld [tilespmem:s12+$0x1000]  }
0x117: {  	v46 =	vand.u32 $0x1FF80, v46;
	v41 =	vor.u32 v29, v41;
	v16 =	vor.u32 v32, v16;
	v36 =	vld.idx.msk [tilespmem:v36+s30+$0x0], $0xffff  }
0x118: {  	v44 =	vor.u32 v33, v44;
	v40 =	vor.u32 v30, v40;
	v42 =	vor.u32 v31, v42;
	v37 =	vld.idx.msk [tilespmem:v37+s30+$0x0], $0xffff  }
0x119: {  	v46 =	vor.u32 v34, v46;
	v48 =	vshll.u32 v39, $0x10;
	v39 =	vand.u32 $0xFFFF0000, v39;
	v35 =	vld.idx.msk [tilespmem:v35+s30+$0x0], $0xffff  }
0x11a: {  	v17 =	vadd.s32 $0x7800, v17;
	v49 =	vshll.u32 v45, $0x10;
	v45 =	vand.u32 $0xFFFF0000, v45;
	v43 =	vld.idx.msk [tilespmem:v43+s30+$0x0], $0xffff  }
0x11b: {  	v18 =	vadd.s32 $0x7800, v18;
	v50 =	vshll.u32 v47, $0x10;
	v47 =	vand.u32 $0xFFFF0000, v47;
	v23 =	vld.idx.msk [tilespmem:v23+s30+$0x0], $0xffff  }
0x11c: {  	v20 =	vadd.s32 $0x7800, v20;
	v19 =	vadd.s32 $0x7800, v19;
	v21 =	vadd.s32 $0x7800, v21;
	v38 =	vld.idx.msk [tilespmem:v38+s30+$0x0], $0xffff  }
0x11d: {  	v17 =	vand.u32 $0x1FF80, v17;
	v22 =	vadd.s32 $0x7800, v22;
	v36 =	vmul.f32 v48, v36;
	[tilespmem:v6+s24+$0x0] =	vst.idx.add.f32.msk $0xffff, v8  }
0x11e: {  	v6 =	vmul.f32 v39, v37;
	v8 =	vand.u32 $0x1FF80, v18;
	v18 =	vand.u32 $0x1FF80, v19;
	[tilespmem:v5+s24+$0x0] =	vst.idx.add.f32.msk $0xffff, v7  }
0x11f: {  	v19 =	vand.u32 $0x1FF80, v21;
	v5 =	vmul.f32 v49, v35;
	v7 =	vand.u32 $0x1FF80, v20;
	[tilespmem:v41+s24+$0x0] =	vst.idx.add.f32.msk $0xffff, v36  }
0x120: {  	[tilespmem:v16+s24+$0x0] =	vst.idx.add.f32.msk $0xffff, v6;
	v6 =	vor.u32 v13, v17;
	v13 =	vmul.f32 v45, v43;
	v16 =	vand.u32 $0x1FF80, v22  }
0x121: {  	v9 =	vadd.s32 $0x7800, v9;
	v8 =	vor.u32 v27, v8;
	[tilespmem:v40+s24+$0x0] =	vst.idx.add.f32.msk $0xffff, v5;
	v5 =	vmul.f32 v50, v23  }
0x122: {  	v10 =	vadd.s32 $0x7800, v10;
	v17 =	vmul.f32 v47, v38;
	[tilespmem:v42+s24+$0x0] =	vst.idx.add.f32.msk $0xffff, v13;
	v13 =	vor.u32 v24, v18  }
0x123: {  	v19 =	vor.u32 v26, v19;
	v18 =	vor.u32 v25, v7;
	v7 =	vadd.s32 $0x7800, v11;
	[tilespmem:v44+s24+$0x0] =	vst.idx.add.f32.msk $0xffff, v5  }
0x124: {  	v11 =	vadd.s32 $0x7800, v14;
	v5 =	vadd.s32 $0x7800, v12;
	v12 =	vor.u32 v28, v16;
	[tilespmem:v46+s24+$0x0] =	vst.idx.add.f32.msk $0xffff, v17  }
0x125: {  	v15 =	vadd.s32 $0x7800, v15;
	v9 =	vand.u32 $0x1FF80, v9;
	v10 =	vand.u32 $0x1FF80, v10;
	v14 =	vld [tilespmem:s10+$0x1000]  }
0x126: {  	v7 =	vand.u32 $0x1FF80, v7;
	v20 =	vand.u32 $0x1FF80, v11;
	v5 =	vand.u32 $0x1FF80, v5;
	v17 =	vld [tilespmem:s9+$0x1000]  }
0x127: {  	v11 =	vor.u32 v29, v9;
	v16 =	vor.u32 v32, v10;
	v10 =	vand.u32 $0x1FF80, v15;
	v9 =	vld [tilespmem:s8+$0x1000]  }
0x128: {  	v20 =	vor.u32 v33, v20;
	v5 =	vor.u32 v31, v5;
	v21 =	vld.idx.msk [tilespmem:v6+s30+$0x0], $0xffff;
	v6 =	vor.u32 v30, v7  }
0x129: {  	v24 =	vor.u32 v34, v10;
	v22 =	vld.idx.msk [tilespmem:v8+s30+$0x0], $0xffff  }
0x12a: {  	v23 =	vshll.u32 v14, $0x10;
	v25 =	vand.u32 $0xFFFF0000, v14;
	v7 =	vld.idx.msk [tilespmem:v13+s30+$0x0], $0xffff  }
.Ltmp3:
0x12b: {  	v8 =	vshll.u32 v17, $0x10;
	v15 =	vand.u32 $0xFFFF0000, v17;
	v10 =	vld.idx.msk [tilespmem:v18+s30+$0x0], $0xffff;
	(pc) =	sbr.rel @p1 .LBB2_5-.Ltmp3, $4  }
0x12c: {  	v13 =	vshll.u32 v9, $0x10;
	v9 =	vand.u32 $0xFFFF0000, v9;
	v17 =	vld.idx.msk [tilespmem:v19+s30+$0x0], $0xffff  }
0x12d: {  	v14 =	vld.idx.msk [tilespmem:v12+s30+$0x0], $0xffff  }
0x12e: {  	v12 =	vmul.f32 v23, v21;
	[tilespmem:v1+s24+$0x0] =	vst.idx.add.f32.msk $0xffff, v4;
	v1 =	vmov v20  }
0x12f: {  	s2 =	sadd.s32 $0x100, s2;
	v23 =	vmul.f32 v25, v22;
	[tilespmem:v2+s24+$0x0] =	vst.idx.add.f32.msk $0xffff, v3;
	v2 =	vmov v24  }
0x130: {  	_ =	sdelay $0x3  }
0x131: {  	v3 =	vmul.f32 v8, v7;
	[tilespmem:v11+s24+$0x0] =	vst.idx.add.f32.msk $0xffff, v12  }
0x132: {  	v4 =	vmul.f32 v15, v10;
	[tilespmem:v16+s24+$0x0] =	vst.idx.add.f32.msk $0xffff, v23  }
0x133: {  	s7 =	sshll.u32 s31, $0x1;
	p0 =	seq.s32 s31, $0x4F;
	v7 =	vmul.f32 v13, v17;
	[tilespmem:v6+s24+$0x0] =	vst.idx.add.f32.msk $0xffff, v3  }
0x134: {  	s0 =	sadd.s32 @!p0 $0x2, s7;
	v3 =	vmul.f32 v9, v14;
	[tilespmem:v5+s24+$0x0] =	vst.idx.add.f32.msk $0xffff, v4  }
0x135: {  	s2 =	sshll.u32 @!p0 s0, $0x8;
	[tilespmem:v1+s24+$0x0] =	vst.idx.add.f32.msk $0xffff, v7  }
0x136: {  	s6 =	simm.s32 @!p0 $0x0;
	s2 =	sadd.s32 @!p0 s1, s2;
	[tilespmem:v2+s24+$0x0] =	vst.idx.add.f32.msk $0xffff, v3  }
0x137: {  	[tilespmem:s6], [sflag:$0x1] =	stream.linear.gather @!p0 [hbm4b:s2+s6], $0x80, $0x38;
	[tilespmem:$0x17000] =	vst v63  }
0x138: {  	s9 =	simm.s32 @!p0 $0x100;
	s8 =	sadd.s32 @!p0 $0x10, s2  }
0x139: {  	[tilespmem:s9], [sflag:$0x1] =	stream.linear.gather @!p0 [hbm4b:s8+s6], $0x80, $0x38;
	[tilespmem:$0x17000] =	vst v63  }
0x13a: {  	s8 =	sadd.s32 @!p0 $0x20, s2;
	s9 =	simm.s32 @!p0 $0x200  }
0x13b: {  	[tilespmem:s9], [sflag:$0x1] =	stream.linear.gather @!p0 [hbm4b:s8+s6], $0x80, $0x38;
	[tilespmem:$0x17000] =	vst v63  }
0x13c: {  	s8 =	sadd.s32 @!p0 $0x30, s2;
	s9 =	simm.s32 @!p0 $0x300  }
0x13d: {  	[tilespmem:s9], [sflag:$0x1] =	stream.linear.gather @!p0 [hbm4b:s8+s6], $0x80, $0x38;
	[tilespmem:$0x17000] =	vst v63  }
0x13e: {  	s8 =	sadd.s32 @!p0 $0x40, s2;
	s9 =	simm.s32 @!p0 $0x400  }
0x13f: {  	[tilespmem:s9], [sflag:$0x1] =	stream.linear.gather @!p0 [hbm4b:s8+s6], $0x80, $0x38;
	[tilespmem:$0x17000] =	vst v63  }
0x140: {  	s8 =	sadd.s32 @!p0 $0x50, s2;
	s9 =	simm.s32 @!p0 $0x500  }
0x141: {  	[tilespmem:s9], [sflag:$0x1] =	stream.linear.gather @!p0 [hbm4b:s8+s6], $0x80, $0x38;
	[tilespmem:$0x17000] =	vst v63  }
0x142: {  	s8 =	sadd.s32 @!p0 $0x60, s2;
	s9 =	simm.s32 @!p0 $0x600  }
0x143: {  	[tilespmem:s9], [sflag:$0x1] =	stream.linear.gather @!p0 [hbm4b:s8+s6], $0x80, $0x38;
	[tilespmem:$0x17000] =	vst v63  }
0x144: {  	s8 =	sadd.s32 @!p0 $0x70, s2;
	s9 =	simm.s32 @!p0 $0x700  }
0x145: {  	[tilespmem:s9], [sflag:$0x1] =	stream.linear.gather @!p0 [hbm4b:s8+s6], $0x80, $0x38;
	[tilespmem:$0x17000] =	vst v63  }
0x146: {  	s8 =	sadd.s32 @!p0 $0x80, s2;
	s9 =	simm.s32 @!p0 $0x800  }
0x147: {  	[tilespmem:s9], [sflag:$0x1] =	stream.linear.gather @!p0 [hbm4b:s8+s6], $0x80, $0x38;
	[tilespmem:$0x17000] =	vst v63  }
0x148: {  	s8 =	sadd.s32 @!p0 $0x90, s2;
	s9 =	simm.s32 @!p0 $0x900  }
0x149: {  	[tilespmem:s9], [sflag:$0x1] =	stream.linear.gather @!p0 [hbm4b:s8+s6], $0x80, $0x38;
	[tilespmem:$0x17000] =	vst v63  }
0x14a: {  	s8 =	sadd.s32 @!p0 $0xA0, s2;
	s9 =	simm.s32 @!p0 $0xA00  }
0x14b: {  	[tilespmem:s9], [sflag:$0x1] =	stream.linear.gather @!p0 [hbm4b:s8+s6], $0x80, $0x38;
	[tilespmem:$0x17000] =	vst v63  }
0x14c: {  	s8 =	sadd.s32 @!p0 $0xB0, s2;
	s9 =	simm.s32 @!p0 $0xB00  }
0x14d: {  	[tilespmem:s9], [sflag:$0x1] =	stream.linear.gather @!p0 [hbm4b:s8+s6], $0x80, $0x38;
	[tilespmem:$0x17000] =	vst v63  }
0x14e: {  	s8 =	sadd.s32 @!p0 $0xC0, s2;
	s9 =	simm.s32 @!p0 $0xC00  }
0x14f: {  	[tilespmem:s9], [sflag:$0x1] =	stream.linear.gather @!p0 [hbm4b:s8+s6], $0x80, $0x38;
	[tilespmem:$0x17000] =	vst v63  }
0x150: {  	s0 =	sshll.u32 @!p0 s0, $0xC;
	s8 =	sadd.s32 @!p0 $0xD0, s2;
	s9 =	simm.s32 @!p0 $0xD00  }
0x151: {  	[tilespmem:s9], [sflag:$0x1] =	stream.linear.gather @!p0 [hbm4b:s8+s6], $0x80, $0x38;
	[tilespmem:$0x17000] =	vst v63  }
0x152: {  	s0 =	sadd.s32 @!p0 s5, s0;
	s8 =	sadd.s32 @!p0 $0xE0, s2;
	s9 =	simm.s32 @!p0 $0xE00  }
0x153: {  	[tilespmem:s9], [sflag:$0x1] =	stream.linear.gather @!p0 [hbm4b:s8+s6], $0x80, $0x38;
	[tilespmem:$0x17000] =	vst v63  }
0x154: {  	s0 =	sshrl.u32 @!p0 s0, $0x3;
	s2 =	sadd.s32 @!p0 $0xF0, s2;
	s8 =	simm.s32 @!p0 $0xF00  }
0x155: {  	[tilespmem:s8], [sflag:$0x1] =	stream.linear.gather @!p0 [hbm4b:s2+s6], $0x80, $0x38;
	[tilespmem:$0x17000] =	vst v63  }
0x156: {  	s0 =	sadd.s32 @!p0 s3, s0;
	s2 =	simm.s32 @!p0 $0x1000  }
0x157: {  	[tilespmem:s2], [sflag:$0x3] =	stream.linear.gather @!p0 [hbm4b:s0+s6], $0x1000, $0x38;
	[tilespmem:$0x17000] =	vst v63  }
0x158: {  	_ =	swait.ge [sflag:s25], $0x800  }
0x159: {  	[sflag:s25] =	ssyncset.done $0x0  }
0x15a: {  	[sflag:s25] =	ssyncadd.s32 $0xFFFFF800  }
0x15b: {  	_ =	swait.ge [sflag:s26], $0x1000  }
0x15c: {  	[sflag:s26] =	ssyncset.done $0x0  }
0x15d: {  	s15 =	simm.s32 $0xF0;
	[sflag:s26] =	ssyncadd.s32 $0xFFFFF000  }
0x15e: {  	v14 =	vld [tilespmem:s15+$0xFFFFFFF0]  }
0x15f: {  	v15 =	vld [tilespmem:s15+$0x0]  }
0x160: {  	v2 =	vld [tilespmem:s15+$0xFFFFFFA0]  }
0x161: {  	v16 =	vld [tilespmem:s15+$0xFFFFFFB0]  }
0x162: {  	s8 =	simm.s32 $0x0;
	v17 =	vld [tilespmem:s15+$0xFFFFFFC0]  }
0x163: {  	s16 =	sand.u32 $0xE00, s8;
	s0 =	sand.u32 $0x40, s8;
	v20 =	vld [tilespmem:s15+$0xFFFFFFD0]  }
0x164: {  	s11 =	sor.u32 $0x2000, s16;
	s10 =	sor.u32 $0x30, s0;
	v21 =	vld [tilespmem:s15+$0xFFFFFFE0]  }
0x165: {  	s17 =	sor.u32 s10, s11;
	v18 =	vld [tilespmem:s15+$0xFFFFFF90]  }
0x166: {  	s2 =	sor.u32 $0x10, s0;
	s12 =	sor.u32 s0, s11;
	v27 =	vld [tilespmem:s17+$0x0];
	v19 =	vand.u32 $0xFFFF, v14;
	v24 =	vand.u32 $0xFFFF, v15  }
0x167: {  	s6 =	sor.u32 $0x20, s0;
	s13 =	sor.u32 s2, s11;
	v32 =	vld [tilespmem:s12+$0x0];
	v8 =	vand.u32 $0xFFFF, v2;
	v1 =	vshrl.u32 v2, $0x10;
	v6 =	vand.u32 $0x7F, v2  }
0x168: {  	s11 =	sor.u32 s6, s11;
	v33 =	vld [tilespmem:s13+$0x0];
	v9 =	vand.u32 $0xFFFF, v16;
	v2 =	vshrl.u32 v16, $0x10;
	v10 =	vand.u32 $0xFFFF, v17  }
0x169: {  	v35 =	vld [tilespmem:s11+$0x0];
	v3 =	vshrl.u32 v17, $0x10;
	v11 =	vand.u32 $0xFFFF, v20;
	v4 =	vshrl.u32 v20, $0x10  }
0x16a: {  	v12 =	vand.u32 $0xFFFF, v21;
	v5 =	vshrl.u32 v21, $0x10;
	v13 =	vand.u32 $0xFFFF, v18  }
0x16b: {  	v7 =	vshrl.u32 v18, $0x10;
	v23 =	vshrl.u32 v14, $0x10;
	v22 =	vshrl.u32 v15, $0x10  }
0x16c: {  	v34 =	vand.u32 $0x7F, v14;
	v37 =	vshll.u32 v27, $0x10;
	v27 =	vand.u32 $0xFFFF0000, v27  }
0x16d: {  	v53 =	vand.u32 $0x7F, v15;
	v39 =	vshll.u32 v32, $0x10;
	v56 =	vand.u32 $0xFFFF0000, v32  }
0x16e: {  	v57 =	vshll.u32 v33, $0x10;
	v33 =	vand.u32 $0xFFFF0000, v33;
	v40 =	vshll.u32 v35, $0x10;
	v29 =	vld.idx.msk [tilespmem:v19+s30+$0x0], $0xffff  }
0x16f: {  	v35 =	vand.u32 $0xFFFF0000, v35;
	v18 =	vand.u32 $0x7F, v18;
	v25 =	vadd.s32 $0x2800, v8;
	v31 =	vld.idx.msk [tilespmem:v24+s30+$0x0], $0xffff  }
0x170: {  	v26 =	vadd.s32 $0x2800, v9;
	v28 =	vadd.s32 $0x2800, v10;
	v30 =	vadd.s32 $0x2800, v11;
	v54 =	vld.idx.msk [tilespmem:v9+s30+$0x0], $0xffff  }
0x171: {  	v14 =	vadd.s32 $0x2800, v19;
	v36 =	vadd.s32 $0x2800, v24;
	v55 =	vadd.s32 $0x2800, v12;
	v43 =	vld.idx.msk [tilespmem:v13+s30+$0x0], $0xffff  }
0x172: {  	v58 =	vadd.s32 $0x2800, v13;
	v59 =	vadd.s32 $0x2800, v23;
	v42 =	vadd.s32 $0x2800, v22;
	v48 =	vld.idx.msk [tilespmem:v11+s30+$0x0], $0xffff  }
0x173: {  	v44 =	vand.u32 $0x7F, v22;
	v46 =	vadd.s32 $0x5000, v19;
	v49 =	vadd.s32 $0x5000, v24;
	v38 =	vld.idx.msk [tilespmem:v8+s30+$0x0], $0xffff  }
0x174: {  	v50 =	vadd.s32 $0x2800, v1;
	v51 =	vadd.s32 $0x2800, v2;
	v45 =	vld.idx.msk [tilespmem:v10+s30+$0x0], $0xffff;
	v29 =	vmul.f32 v37, v29  }
0x175: {  	v52 =	vadd.s32 $0x2800, v4;
	v14 =	vand.u32 $0x1FF80, v14;
	v60 =	vld.idx.msk [tilespmem:v12+s30+$0x0], $0xffff;
	v32 =	vmul.f32 v57, v54  }
0x176: {  	v15 =	vand.u32 $0x1FF80, v36;
	v25 =	vand.u32 $0x1FF80, v25;
	v39 =	vmul.f32 v39, v43;
	[tilespmem:v23+s24+$0x0] =	vst.idx.add.f32.msk $0xffff, v29  }
0x177: {  	v26 =	vand.u32 $0x1FF80, v26;
	v14 =	vor.u32 v34, v14;
	v62 =	vmul.f32 v40, v48;
	[tilespmem:v2+s24+$0x0] =	vst.idx.add.f32.msk $0xffff, v32  }
0x178: {  	v36 =	vand.u32 $0x1FF80, v59;
	v15 =	vor.u32 v53, v15;
	v27 =	vmul.f32 v27, v31;
	[tilespmem:v7+s24+$0x0] =	vst.idx.add.f32.msk $0xffff, v39  }
0x179: {  	s18 =	sor.u32 $0x2080, s16;
	v42 =	vand.u32 $0x1FF80, v42;
	v46 =	vand.u32 $0x1FF80, v46;
	v49 =	vand.u32 $0x1FF80, v49;
	[tilespmem:v4+s24+$0x0] =	vst.idx.add.f32.msk $0xffff, v62  }
0x17a: {  	s19 =	sor.u32 s10, s18;
	v28 =	vand.u32 $0x1FF80, v28;
	v30 =	vand.u32 $0x1FF80, v30;
	v42 =	vor.u32 v44, v42;
	[tilespmem:v22+s24+$0x0] =	vst.idx.add.f32.msk $0xffff, v27  }
0x17b: {  	v46 =	vor.u32 v34, v46;
	v61 =	vor.u32 v53, v49;
	v49 =	vadd.s32 $0x2800, v7;
	v41 =	vld [tilespmem:s19+$0x0]  }
0x17c: {  	v19 =	vadd.s32 $0x7800, v19;
	v24 =	vadd.s32 $0x7800, v24;
	v33 =	vmul.f32 v33, v45;
	v14 =	vld.idx.msk [tilespmem:v14+s30+$0x0], $0xffff  }
0x17d: {  	v40 =	vor.u32 v6, v25;
	v29 =	vmul.f32 v56, v38;
	v38 =	vand.u32 $0x7F, v23;
	v15 =	vld.idx.msk [tilespmem:v15+s30+$0x0], $0xffff  }
0x17e: {  	v19 =	vand.u32 $0x1FF80, v19;
	v24 =	vand.u32 $0x1FF80, v24;
	v36 =	vor.u32 v38, v36;
	[tilespmem:v3+s24+$0x0] =	vst.idx.add.f32.msk $0xffff, v33  }
0x17f: {  	s20 =	sor.u32 $0x2100, s16;
	s9 =	sor.u32 $0x2180, s16;
	s16 =	sor.u32 s2, s18;
	v19 =	vor.u32 v34, v19;
	v24 =	vor.u32 v53, v24;
	v53 =	vadd.s32 $0x2800, v5;
	[tilespmem:v1+s24+$0x0] =	vst.idx.add.f32.msk $0xffff, v29  }
0x180: {  	s15 =	sor.u32 s0, s18;
	v31 =	vand.u32 $0x1FF80, v55;
	v35 =	vmul.f32 v35, v60;
	v62 =	vld [tilespmem:s16+$0x0];
	v47 =	vshll.u32 v41, $0x10  }
0x181: {  	v43 =	vadd.s32 $0x5000, v22;
	v48 =	vld [tilespmem:s15+$0x0];
	v41 =	vand.u32 $0xFFFF0000, v41;
	v14 =	vmul.f32 v47, v14  }
0x182: {  	v25 =	vand.u32 $0x1FF80, v49;
	v54 =	vand.u32 $0x1FF80, v50;
	v40 =	vld.idx.msk [tilespmem:v40+s30+$0x0], $0xffff;
	v15 =	vmul.f32 v41, v15  }
0x183: {  	v55 =	vand.u32 $0x1FF80, v51;
	v27 =	vand.u32 $0x1FF80, v58;
	v22 =	vadd.s32 $0x7800, v22;
	[tilespmem:v36+s24+$0x0] =	vst.idx.add.f32.msk $0xffff, v14  }
0x184: {  	s14 =	sor.u32 s10, s20;
	v27 =	vor.u32 v18, v27;
	v29 =	vand.u32 $0x1FF80, v52;
	v22 =	vand.u32 $0x1FF80, v22;
	[tilespmem:v42+s24+$0x0] =	vst.idx.add.f32.msk $0xffff, v15  }
0x185: {  	v14 =	vand.u32 $0x7F, v16;
	v16 =	vand.u32 $0x7F, v20;
	v15 =	vand.u32 $0x7F, v17;
	v20 =	vld [tilespmem:s14+$0x0]  }
0x186: {  	v17 =	vand.u32 $0x7F, v21;
	v26 =	vor.u32 v14, v26;
	v42 =	vadd.s32 $0x5000, v23;
	v21 =	vld.idx.msk [tilespmem:v46+s30+$0x0], $0xffff  }
0x187: {  	v22 =	vor.u32 v44, v22;
	v30 =	vor.u32 v16, v30;
	v63 =	vld.idx.msk [tilespmem:v61+s30+$0x0], $0xffff;
	v32 =	vand.u32 $0x1FF80, v42  }
0x188: {  	[tilespmem:v5+s24+$0x0] =	vst.idx.add.f32.msk $0xffff, v35;
	v51 =	vshll.u32 v62, $0x10;
	v46 =	vand.u32 $0x1FF80, v43;
	v45 =	vor.u32 v38, v32  }
0x189: {  	s12 =	sor.u32 s6, s18;
	v27 =	vld.idx.msk [tilespmem:v27+s30+$0x0], $0xffff;
	v60 =	vshll.u32 v48, $0x10;
	v33 =	vand.u32 $0xFFFF0000, v48;
	v32 =	vor.u32 v44, v46  }
0x18a: {  	v48 =	vld [tilespmem:s12+$0x0];
	v33 =	vmul.f32 v33, v40;
	v28 =	vor.u32 v15, v28;
	v47 =	vshll.u32 v20, $0x10  }
0x18b: {  	v36 =	vand.u32 $0x1FF80, v53;
	v26 =	vld.idx.msk [tilespmem:v26+s30+$0x0], $0xffff;
	v20 =	vand.u32 $0xFFFF0000, v20;
	v21 =	vmul.f32 v47, v21  }
0x18c: {  	v53 =	vadd.s32 $0x5000, v13;
	v13 =	vadd.s32 $0x7800, v13;
	v30 =	vld.idx.msk [tilespmem:v30+s30+$0x0], $0xffff;
	v20 =	vmul.f32 v20, v63  }
0x18d: {  	v13 =	vand.u32 $0x1FF80, v13;
	v31 =	vor.u32 v17, v31;
	v61 =	vadd.s32 $0x7800, v23;
	[tilespmem:v45+s24+$0x0] =	vst.idx.add.f32.msk $0xffff, v21  }
0x18e: {  	v23 =	vand.u32 $0x7F, v3;
	v21 =	vadd.s32 $0x2800, v3;
	[tilespmem:v32+s24+$0x0] =	vst.idx.add.f32.msk $0xffff, v20;
	v20 =	vand.u32 $0x7F, v7  }
0x18f: {  	v28 =	vld.idx.msk [tilespmem:v28+s30+$0x0], $0xffff;
	v57 =	vand.u32 $0x1FF80, v21;
	v21 =	vand.u32 $0x7F, v1;
	v49 =	vor.u32 v20, v25  }
0x190: {  	v43 =	vand.u32 $0xFFFF0000, v62;
	v58 =	vld.idx.msk [tilespmem:v19+s30+$0x0], $0xffff;
	v19 =	vand.u32 $0x7F, v2;
	v32 =	vor.u32 v21, v54  }
0x191: {  	v27 =	vmul.f32 v60, v27;
	v59 =	vld.idx.msk [tilespmem:v24+s30+$0x0], $0xffff;
	v24 =	vand.u32 $0x7F, v4;
	v34 =	vor.u32 v19, v55  }
0x192: {  	s10 =	sor.u32 s10, s9;
	v42 =	vand.u32 $0x1FF80, v53;
	v53 =	vadd.s32 $0x5000, v4;
	v31 =	vld.idx.msk [tilespmem:v31+s30+$0x0], $0xffff;
	v29 =	vor.u32 v24, v29  }
0x193: {  	v13 =	vor.u32 v18, v13;
	v52 =	vshll.u32 v48, $0x10;
	v56 =	vld [tilespmem:s10+$0x0];
	v37 =	vor.u32 v23, v57  }
0x194: {  	v46 =	vand.u32 $0xFFFF0000, v48;
	v26 =	vmul.f32 v51, v26;
	v25 =	vand.u32 $0x7F, v5;
	[tilespmem:v49+s24+$0x0] =	vst.idx.add.f32.msk $0xffff, v27  }
0x195: {  	v63 =	vand.u32 $0x1FF80, v61;
	v30 =	vmul.f32 v52, v30;
	v36 =	vor.u32 v25, v36;
	[tilespmem:v32+s24+$0x0] =	vst.idx.add.f32.msk $0xffff, v33  }
0x196: {  	v61 =	vor.u32 v18, v42;
	v47 =	vadd.s32 $0x5000, v7;
	v28 =	vmul.f32 v43, v28;
	[tilespmem:v34+s24+$0x0] =	vst.idx.add.f32.msk $0xffff, v26  }
0x197: {  	v38 =	vor.u32 v38, v63;
	v54 =	vadd.s32 $0x5000, v8;
	v57 =	vadd.s32 $0x5000, v11;
	[tilespmem:v29+s24+$0x0] =	vst.idx.add.f32.msk $0xffff, v30  }
0x198: {  	s17 =	sor.u32 s0, s20;
	v31 =	vmul.f32 v46, v31;
	v55 =	vadd.s32 $0x5000, v9;
	v50 =	vshll.u32 v56, $0x10;
	[tilespmem:v37+s24+$0x0] =	vst.idx.add.f32.msk $0xffff, v28  }
0x199: {  	v35 =	vand.u32 $0xFFFF0000, v56;
	v56 =	vadd.s32 $0x5000, v10;
	v27 =	vand.u32 $0x1FF80, v55;
	v62 =	vld [tilespmem:s17+$0x0]  }
0x19a: {  	v35 =	vmul.f32 v35, v59;
	v59 =	vand.u32 $0x1FF80, v54;
	v27 =	vor.u32 v14, v27;
	[tilespmem:v36+s24+$0x0] =	vst.idx.add.f32.msk $0xffff, v31  }
0x19b: {  	s18 =	sor.u32 s2, s20;
	v39 =	vmul.f32 v50, v58;
	v60 =	vand.u32 $0x1FF80, v56;
	v26 =	vor.u32 v6, v59;
	v28 =	vld.idx.msk [tilespmem:v61+s30+$0x0], $0xffff  }
0x19c: {  	s19 =	sor.u32 s6, s20;
	v58 =	vadd.s32 $0x5000, v12;
	v32 =	vand.u32 $0x1FF80, v57;
	v34 =	vor.u32 v15, v60;
	v63 =	vld [tilespmem:s18+$0x0]  }
0x19d: {  	v41 =	vand.u32 $0x1FF80, v47;
	v33 =	vand.u32 $0x1FF80, v58;
	v48 =	vor.u32 v16, v32;
	v54 =	vld [tilespmem:s19+$0x0]  }
0x19e: {  	v51 =	vadd.s32 $0x5000, v2;
	v52 =	vadd.s32 $0x5000, v3;
	v50 =	vor.u32 v17, v33;
	[tilespmem:v38+s24+$0x0] =	vst.idx.add.f32.msk $0xffff, v39  }
0x19f: {  	v7 =	vadd.s32 $0x7800, v7;
	v41 =	vor.u32 v20, v41;
	v49 =	vadd.s32 $0x5000, v1;
	v27 =	vld.idx.msk [tilespmem:v27+s30+$0x0], $0xffff  }
0x1a0: {  	v55 =	vadd.s32 $0x5000, v5;
	v30 =	vand.u32 $0x1FF80, v49;
	v31 =	vand.u32 $0x1FF80, v51;
	v26 =	vld.idx.msk [tilespmem:v26+s30+$0x0], $0xffff  }
0x1a1: {  	v43 =	vand.u32 $0x1FF80, v55;
	v36 =	vand.u32 $0x1FF80, v53;
	v31 =	vor.u32 v19, v31;
	v34 =	vld.idx.msk [tilespmem:v34+s30+$0x0], $0xffff  }
0x1a2: {  	v30 =	vor.u32 v21, v30;
	v33 =	vand.u32 $0x1FF80, v52;
	v56 =	vshll.u32 v62, $0x10;
	v29 =	vld.idx.msk [tilespmem:v48+s30+$0x0], $0xffff  }
0x1a3: {  	v33 =	vor.u32 v23, v33;
	v57 =	vshll.u32 v63, $0x10;
	v32 =	vld.idx.msk [tilespmem:v50+s30+$0x0], $0xffff;
	v28 =	vmul.f32 v56, v28  }
0x1a4: {  	v36 =	vor.u32 v24, v36;
	[tilespmem:v22+s24+$0x0] =	vst.idx.add.f32.msk $0xffff, v35;
	v37 =	vand.u32 $0xFFFF0000, v62;
	v27 =	vmul.f32 v57, v27  }
0x1a5: {  	v58 =	vor.u32 v25, v43;
	v40 =	vand.u32 $0xFFFF0000, v63;
	[tilespmem:v41+s24+$0x0] =	vst.idx.add.f32.msk $0xffff, v28;
	v26 =	vmul.f32 v37, v26  }
0x1a6: {  	v3 =	vadd.s32 $0x7800, v3;
	v59 =	vshll.u32 v54, $0x10;
	v61 =	vmul.f32 v40, v34;
	[tilespmem:v31+s24+$0x0] =	vst.idx.add.f32.msk $0xffff, v27  }
0x1a7: {  	v8 =	vadd.s32 $0x7800, v8;
	v60 =	vand.u32 $0xFFFF0000, v54;
	v62 =	vmul.f32 v59, v29;
	[tilespmem:v30+s24+$0x0] =	vst.idx.add.f32.msk $0xffff, v26  }
0x1a8: {  	v11 =	vadd.s32 $0x7800, v11;
	v2 =	vadd.s32 $0x7800, v2;
	v63 =	vmul.f32 v60, v32;
	[tilespmem:v33+s24+$0x0] =	vst.idx.add.f32.msk $0xffff, v61  }
0x1a9: {  	v4 =	vadd.s32 $0x7800, v4;
	v9 =	vadd.s32 $0x7800, v9;
	v8 =	vand.u32 $0x1FF80, v8;
	[tilespmem:v36+s24+$0x0] =	vst.idx.add.f32.msk $0xffff, v62  }
0x1aa: {  	s0 =	sor.u32 s0, s9;
	v9 =	vand.u32 $0x1FF80, v9;
	v10 =	vadd.s32 $0x7800, v10;
	v6 =	vor.u32 v6, v8;
	[tilespmem:v58+s24+$0x0] =	vst.idx.add.f32.msk $0xffff, v63  }
0x1ab: {  	s2 =	sor.u32 s2, s9;
	v7 =	vand.u32 $0x1FF80, v7;
	v10 =	vand.u32 $0x1FF80, v10;
	v8 =	vor.u32 v14, v9;
	v9 =	vld [tilespmem:s0+$0x0]  }
0x1ac: {  	v11 =	vand.u32 $0x1FF80, v11;
	v12 =	vadd.s32 $0x7800, v12;
	v10 =	vor.u32 v15, v10;
	v14 =	vld [tilespmem:s2+$0x0]  }
0x1ad: {  	s20 =	sor.u32 s6, s9;
	v3 =	vand.u32 $0x1FF80, v3;
	v12 =	vand.u32 $0x1FF80, v12;
	v15 =	vor.u32 v16, v11;
	v13 =	vld.idx.msk [tilespmem:v13+s30+$0x0], $0xffff  }
0x1ae: {  	v2 =	vand.u32 $0x1FF80, v2;
	v1 =	vadd.s32 $0x7800, v1;
	v16 =	vor.u32 v17, v12;
	v17 =	vld [tilespmem:s20+$0x0]  }
0x1af: {  	v4 =	vand.u32 $0x1FF80, v4;
	v5 =	vadd.s32 $0x7800, v5;
	v1 =	vand.u32 $0x1FF80, v1;
	v18 =	vld.idx.msk [tilespmem:v6+s30+$0x0], $0xffff  }
0x1b0: {  	v11 =	vor.u32 v20, v7;
	v12 =	vand.u32 $0x1FF80, v5;
	v5 =	vor.u32 v23, v3;
	v7 =	vld.idx.msk [tilespmem:v8+s30+$0x0], $0xffff  }
0x1b1: {  	v22 =	vor.u32 v21, v1;
	v1 =	vor.u32 v24, v4;
	v6 =	vor.u32 v19, v2;
	v10 =	vld.idx.msk [tilespmem:v10+s30+$0x0], $0xffff  }
0x1b2: {  	v2 =	vor.u32 v25, v12;
	v15 =	vld.idx.msk [tilespmem:v15+s30+$0x0], $0xffff;
	v3 =	vshll.u32 v9, $0x10;
	v4 =	vand.u32 $0xFFFF0000, v9  }
0x1b3: {  	v16 =	vld.idx.msk [tilespmem:v16+s30+$0x0], $0xffff;
	v8 =	vshll.u32 v14, $0x10;
	v14 =	vand.u32 $0xFFFF0000, v14;
	v12 =	vshll.u32 v17, $0x10  }
0x1b4: {  	s6 =	simm.s32 $0x0;
	s0 =	simm.s32 $0x0;
	s2 =	simm.s32 $0x1F0;
	v9 =	vand.u32 $0xFFFF0000, v17;
	v13 =	vmul.f32 v3, v13;
	v23 =	vmul.f32 v4, v18  }
.LBB2_7:
0x1b5: {  	v26 =	vld [tilespmem:s2+$0xFFFFFFF0];
	v8 =	vmul.f32 v8, v7  }
0x1b6: {  	v7 =	vmul.f32 v14, v10;
	v34 =	vld [tilespmem:s2+$0x0]  }
0x1b7: {  	v4 =	vmul.f32 v12, v15;
	v10 =	vld [tilespmem:s2+$0xFFFFFFA0]  }
0x1b8: {  	v3 =	vmul.f32 v9, v16;
	v32 =	vld [tilespmem:s2+$0xFFFFFFB0]  }
0x1b9: {  	v25 =	vld [tilespmem:s2+$0xFFFFFFC0]  }
0x1ba: {  	s8 =	sadd.s32 $0x100, s8;
	s6 =	sadd.s32 $0x40, s6;
	v24 =	vld [tilespmem:s2+$0xFFFFFFD0];
	v27 =	vand.u32 $0xFFFF, v26  }
0x1bb: {  	s9 =	sand.u32 $0x40, s6;
	s11 =	sand.u32 $0xE00, s8;
	v29 =	vld [tilespmem:s2+$0xFFFFFFE0];
	v28 =	vand.u32 $0xFFFF, v34  }
0x1bc: {  	s0 =	sadd.s32 $0x4, s0;
	s14 =	sor.u32 $0x2000, s11;
	s10 =	sor.u32 $0x30, s9;
	v35 =	vld [tilespmem:s2+$0xFFFFFF90];
	v15 =	vand.u32 $0xFFFF, v10;
	v9 =	vshrl.u32 v10, $0x10;
	v12 =	vand.u32 $0x7F, v10  }
0x1bd: {  	p1 =	slt.u32 s0, $0x3C;
	s12 =	sor.u32 $0x10, s9;
	s15 =	sor.u32 s10, s14;
	v36 =	vadd.s32 $0x2800, v15;
	v16 =	vand.u32 $0xFFFF, v32;
	v10 =	vshrl.u32 v32, $0x10;
	[tilespmem:v11+s24+$0x0] =	vst.idx.add.f32.msk $0xffff, v13  }
0x1be: {  	s13 =	sor.u32 $0x20, s9;
	s16 =	sor.u32 s9, s14;
	s17 =	sor.u32 s12, s14;
	v18 =	vand.u32 $0xFFFF, v25;
	v11 =	vshrl.u32 v25, $0x10;
	v37 =	vadd.s32 $0x2800, v16;
	v38 =	vld [tilespmem:s15+$0x0]  }
0x1bf: {  	s14 =	sor.u32 s13, s14;
	v39 =	vadd.s32 $0x2800, v18;
	v19 =	vand.u32 $0xFFFF, v24;
	v13 =	vshrl.u32 v24, $0x10;
	v40 =	vld.idx.msk [tilespmem:v27+s30+$0x0], $0xffff  }
0x1c0: {  	v20 =	vand.u32 $0xFFFF, v29;
	v14 =	vshrl.u32 v29, $0x10;
	v41 =	vadd.s32 $0x2800, v19;
	v42 =	vld.idx.msk [tilespmem:v28+s30+$0x0], $0xffff  }
0x1c1: {  	v21 =	vand.u32 $0xFFFF, v35;
	v17 =	vshrl.u32 v35, $0x10;
	v43 =	vld [tilespmem:s16+$0x0];
	v44 =	vadd.s32 $0x2800, v20  }
0x1c2: {  	v30 =	vshrl.u32 v26, $0x10;
	v33 =	vand.u32 $0x7F, v26;
	v31 =	vshrl.u32 v34, $0x10;
	v45 =	vld [tilespmem:s17+$0x0]  }
0x1c3: {  	v46 =	vadd.s32 $0x2800, v27;
	v34 =	vand.u32 $0x7F, v34;
	v47 =	vadd.s32 $0x2800, v28;
	v26 =	vld [tilespmem:s14+$0x0]  }
0x1c4: {  	v46 =	vand.u32 $0x1FF80, v46;
	v47 =	vand.u32 $0x1FF80, v47;
	v49 =	vshll.u32 v38, $0x10;
	v48 =	vld.idx.msk [tilespmem:v15+s30+$0x0], $0xffff  }
0x1c5: {  	v46 =	vor.u32 v33, v46;
	v38 =	vand.u32 $0xFFFF0000, v38;
	v40 =	vmul.f32 v49, v40;
	v50 =	vld.idx.msk [tilespmem:v16+s30+$0x0], $0xffff  }
0x1c6: {  	v38 =	vmul.f32 v38, v42;
	v42 =	vor.u32 v34, v47;
	v49 =	vshll.u32 v43, $0x10;
	v51 =	vld.idx.msk [tilespmem:v21+s30+$0x0], $0xffff  }
0x1c7: {  	s14 =	sor.u32 $0x2080, s11;
	v43 =	vand.u32 $0xFFFF0000, v43;
	v47 =	vshll.u32 v45, $0x10;
	v45 =	vand.u32 $0xFFFF0000, v45;
	[tilespmem:v30+s24+$0x0] =	vst.idx.add.f32.msk $0xffff, v40  }
0x1c8: {  	s19 =	sor.u32 s9, s14;
	s17 =	sor.u32 s12, s14;
	s15 =	sor.u32 s10, s14;
	v40 =	vadd.s32 $0x2800, v21;
	v52 =	vshll.u32 v26, $0x10;
	v53 =	vand.u32 $0xFFFF0000, v26;
	[tilespmem:v31+s24+$0x0] =	vst.idx.add.f32.msk $0xffff, v38  }
0x1c9: {  	v36 =	vand.u32 $0x1FF80, v36;
	v37 =	vand.u32 $0x1FF80, v37;
	s18 =	sor.u32 s13, s14;
	v38 =	vand.u32 $0x1FF80, v40;
	v26 =	vld [tilespmem:s15+$0x0]  }
0x1ca: {  	v39 =	vand.u32 $0x1FF80, v39;
	v41 =	vand.u32 $0x1FF80, v41;
	v40 =	vmul.f32 v43, v48;
	v43 =	vld.idx.msk [tilespmem:v46+s30+$0x0], $0xffff  }
0x1cb: {  	v44 =	vand.u32 $0x1FF80, v44;
	v46 =	vmul.f32 v47, v50;
	v47 =	vadd.s32 $0x2800, v30;
	v42 =	vld.idx.msk [tilespmem:v42+s30+$0x0], $0xffff  }
0x1cc: {  	v54 =	vadd.s32 $0x2800, v31;
	v50 =	vand.u32 $0x7F, v30;
	v47 =	vand.u32 $0x1FF80, v47;
	v48 =	vld.idx.msk [tilespmem:v18+s30+$0x0], $0xffff  }
0x1cd: {  	v56 =	vand.u32 $0x7F, v31;
	v54 =	vand.u32 $0x1FF80, v54;
	v47 =	vor.u32 v50, v47;
	v55 =	vld.idx.msk [tilespmem:v19+s30+$0x0], $0xffff  }
0x1ce: {  	v58 =	vadd.s32 $0x5000, v27;
	v59 =	vadd.s32 $0x5000, v28;
	v54 =	vor.u32 v56, v54;
	v57 =	vld.idx.msk [tilespmem:v20+s30+$0x0], $0xffff  }
0x1cf: {  	v58 =	vand.u32 $0x1FF80, v58;
	v59 =	vand.u32 $0x1FF80, v59;
	[tilespmem:v10+s24+$0x0] =	vst.idx.add.f32.msk $0xffff, v46;
	v46 =	vshll.u32 v26, $0x10  }
0x1d0: {  	v26 =	vand.u32 $0xFFFF0000, v26;
	v43 =	vmul.f32 v46, v43;
	v46 =	vor.u32 v33, v58;
	[tilespmem:v22+s24+$0x0] =	vst.idx.add.f32.msk $0xffff, v23  }
0x1d1: {  	v49 =	vmul.f32 v49, v51;
	v51 =	vor.u32 v34, v59;
	v42 =	vmul.f32 v26, v42  }
0x1d2: {  	s14 =	sor.u32 $0x2100, s11;
	v26 =	vand.u32 $0x7F, v35;
	v22 =	vand.u32 $0x7F, v32;
	v35 =	vmul.f32 v45, v48;
	[tilespmem:v47+s24+$0x0] =	vst.idx.add.f32.msk $0xffff, v43  }
0x1d3: {  	v24 =	vand.u32 $0x7F, v24;
	s16 =	sor.u32 s9, s14;
	s20 =	sor.u32 s10, s14;
	s15 =	sor.u32 s12, s14;
	v23 =	vand.u32 $0x7F, v25;
	v32 =	vmul.f32 v52, v55;
	[tilespmem:v54+s24+$0x0] =	vst.idx.add.f32.msk $0xffff, v42  }
0x1d4: {  	s14 =	sor.u32 s13, s14;
	v25 =	vand.u32 $0x7F, v29;
	v38 =	vor.u32 v26, v38;
	v42 =	vmul.f32 v53, v57;
	v29 =	vld [tilespmem:s20+$0x0]  }
0x1d5: {  	v36 =	vor.u32 v12, v36;
	v37 =	vor.u32 v22, v37;
	v39 =	vor.u32 v23, v39;
	v43 =	vld.idx.msk [tilespmem:v46+s30+$0x0], $0xffff  }
0x1d6: {  	v41 =	vor.u32 v24, v41;
	v44 =	vor.u32 v25, v44;
	v46 =	vadd.s32 $0x5000, v30;
	v45 =	vld.idx.msk [tilespmem:v51+s30+$0x0], $0xffff  }
0x1d7: {  	v48 =	vadd.s32 $0x5000, v31;
	v47 =	vadd.s32 $0x2800, v17;
	v46 =	vand.u32 $0x1FF80, v46;
	[tilespmem:v17+s24+$0x0] =	vst.idx.add.f32.msk $0xffff, v49  }
0x1d8: {  	v48 =	vand.u32 $0x1FF80, v48;
	v46 =	vor.u32 v50, v46;
	[tilespmem:v9+s24+$0x0] =	vst.idx.add.f32.msk $0xffff, v40;
	v40 =	vadd.s32 $0x2800, v9  }
0x1d9: {  	v27 =	vadd.s32 $0x7800, v27;
	v28 =	vadd.s32 $0x7800, v28;
	[tilespmem:v11+s24+$0x0] =	vst.idx.add.f32.msk $0xffff, v35;
	v35 =	vor.u32 v56, v48  }
0x1da: {  	v27 =	vand.u32 $0x1FF80, v27;
	v28 =	vand.u32 $0x1FF80, v28;
	[tilespmem:v13+s24+$0x0] =	vst.idx.add.f32.msk $0xffff, v32;
	v32 =	vshll.u32 v29, $0x10  }
0x1db: {  	v33 =	vor.u32 v33, v27;
	v29 =	vand.u32 $0xFFFF0000, v29;
	[tilespmem:v14+s24+$0x0] =	vst.idx.add.f32.msk $0xffff, v42;
	v32 =	vmul.f32 v32, v43  }
0x1dc: {  	v34 =	vor.u32 v34, v28;
	v27 =	vadd.s32 $0x2800, v10;
	v29 =	vmul.f32 v29, v45;
	v42 =	vld [tilespmem:s19+$0x0]  }
0x1dd: {  	v28 =	vadd.s32 $0x2800, v11;
	v43 =	vadd.s32 $0x2800, v13;
	v45 =	vadd.s32 $0x2800, v14;
	s19 =	sor.u32 $0x2180, s11;
	[tilespmem:v46+s24+$0x0] =	vst.idx.add.f32.msk $0xffff, v32  }
0x1de: {  	v40 =	vand.u32 $0x1FF80, v40;
	v32 =	vand.u32 $0x1FF80, v47;
	s11 =	sor.u32 s9, s19;
	v46 =	vand.u32 $0x1FF80, v27;
	s9 =	sor.u32 s12, s19;
	s12 =	sor.u32 s10, s19;
	[tilespmem:v35+s24+$0x0] =	vst.idx.add.f32.msk $0xffff, v29  }
0x1df: {  	v43 =	vand.u32 $0x1FF80, v43;
	v45 =	vand.u32 $0x1FF80, v45;
	s10 =	sor.u32 s13, s19;
	v35 =	vand.u32 $0x1FF80, v28;
	v47 =	vld [tilespmem:s12+$0x0]  }
0x1e0: {  	v27 =	vand.u32 $0x7F, v10;
	v28 =	vand.u32 $0x7F, v17;
	v29 =	vand.u32 $0x7F, v9;
	v33 =	vld.idx.msk [tilespmem:v33+s30+$0x0], $0xffff  }
0x1e1: {  	v49 =	vadd.s32 $0x7800, v30;
	v48 =	vshll.u32 v42, $0x10;
	v42 =	vand.u32 $0xFFFF0000, v42;
	v34 =	vld.idx.msk [tilespmem:v34+s30+$0x0], $0xffff  }
0x1e2: {  	v52 =	vadd.s32 $0x7800, v31;
	v30 =	vand.u32 $0x7F, v11;
	v49 =	vand.u32 $0x1FF80, v49;
	v51 =	vld [tilespmem:s17+$0x0]  }
0x1e3: {  	v31 =	vand.u32 $0x7F, v13;
	v49 =	vor.u32 v50, v49;
	v50 =	vand.u32 $0x1FF80, v52;
	v53 =	vld [tilespmem:s18+$0x0]  }
0x1e4: {  	v50 =	vor.u32 v56, v50;
	v52 =	vor.u32 v28, v32;
	v32 =	vand.u32 $0x7F, v14;
	v38 =	vld.idx.msk [tilespmem:v38+s30+$0x0], $0xffff  }
0x1e5: {  	v46 =	vor.u32 v27, v46;
	v40 =	vor.u32 v29, v40;
	v54 =	vshll.u32 v47, $0x10;
	v36 =	vld.idx.msk [tilespmem:v36+s30+$0x0], $0xffff  }
0x1e6: {  	v35 =	vor.u32 v30, v35;
	v47 =	vand.u32 $0xFFFF0000, v47;
	v33 =	vmul.f32 v54, v33;
	v37 =	vld.idx.msk [tilespmem:v37+s30+$0x0], $0xffff  }
0x1e7: {  	v34 =	vmul.f32 v47, v34;
	v54 =	vshll.u32 v51, $0x10;
	v51 =	vand.u32 $0xFFFF0000, v51;
	v39 =	vld.idx.msk [tilespmem:v39+s30+$0x0], $0xffff  }
0x1e8: {  	v43 =	vor.u32 v31, v43;
	v47 =	vshll.u32 v53, $0x10;
	v53 =	vand.u32 $0xFFFF0000, v53;
	[tilespmem:v49+s24+$0x0] =	vst.idx.add.f32.msk $0xffff, v33  }
0x1e9: {  	v45 =	vor.u32 v32, v45;
	v33 =	vadd.s32 $0x5000, v21;
	v49 =	vadd.s32 $0x5000, v15;
	[tilespmem:v50+s24+$0x0] =	vst.idx.add.f32.msk $0xffff, v34  }
0x1ea: {  	v34 =	vmul.f32 v48, v38;
	v38 =	vadd.s32 $0x5000, v16;
	v48 =	vadd.s32 $0x5000, v18;
	v41 =	vld.idx.msk [tilespmem:v41+s30+$0x0], $0xffff  }
0x1eb: {  	v50 =	vadd.s32 $0x5000, v20;
	v36 =	vmul.f32 v42, v36;
	v42 =	vld.idx.msk [tilespmem:v44+s30+$0x0], $0xffff;
	v44 =	vadd.s32 $0x5000, v19  }
0x1ec: {  	v33 =	vand.u32 $0x1FF80, v33;
	v37 =	vmul.f32 v54, v37;
	[tilespmem:v52+s24+$0x0] =	vst.idx.add.f32.msk $0xffff, v34;
	v34 =	vand.u32 $0x1FF80, v49  }
0x1ed: {  	v38 =	vand.u32 $0x1FF80, v38;
	[tilespmem:v40+s24+$0x0] =	vst.idx.add.f32.msk $0xffff, v36;
	v36 =	vmul.f32 v51, v39;
	v39 =	vand.u32 $0x1FF80, v48  }
0x1ee: {  	v33 =	vor.u32 v26, v33;
	v40 =	vand.u32 $0x1FF80, v50;
	[tilespmem:v46+s24+$0x0] =	vst.idx.add.f32.msk $0xffff, v37;
	v37 =	vand.u32 $0x1FF80, v44  }
0x1ef: {  	v34 =	vor.u32 v12, v34;
	v44 =	vadd.s32 $0x5000, v17;
	[tilespmem:v35+s24+$0x0] =	vst.idx.add.f32.msk $0xffff, v36;
	v35 =	vor.u32 v22, v38  }
0x1f0: {  	v38 =	vor.u32 v23, v39;
	v39 =	vmul.f32 v47, v41;
	v37 =	vor.u32 v24, v37;
	v36 =	vld [tilespmem:s16+$0x0]  }
0x1f1: {  	v40 =	vor.u32 v25, v40;
	v41 =	vadd.s32 $0x5000, v9;
	v42 =	vmul.f32 v53, v42;
	v46 =	vld [tilespmem:s15+$0x0]  }
0x1f2: {  	v48 =	vadd.s32 $0x5000, v11;
	v47 =	vadd.s32 $0x5000, v10;
	[tilespmem:v43+s24+$0x0] =	vst.idx.add.f32.msk $0xffff, v39;
	v39 =	vadd.s32 $0x5000, v13  }
0x1f3: {  	v41 =	vand.u32 $0x1FF80, v41;
	v43 =	vand.u32 $0x1FF80, v44;
	[tilespmem:v45+s24+$0x0] =	vst.idx.add.f32.msk $0xffff, v42;
	v42 =	vadd.s32 $0x5000, v14  }
0x1f4: {  	v44 =	vand.u32 $0x1FF80, v47;
	v45 =	vand.u32 $0x1FF80, v48;
	v39 =	vand.u32 $0x1FF80, v39;
	v47 =	vld [tilespmem:s14+$0x0]  }
0x1f5: {  	v42 =	vand.u32 $0x1FF80, v42;
	v48 =	vshll.u32 v36, $0x10;
	v36 =	vand.u32 $0xFFFF0000, v36;
	v33 =	vld.idx.msk [tilespmem:v33+s30+$0x0], $0xffff  }
0x1f6: {  	v43 =	vor.u32 v28, v43;
	v34 =	vld.idx.msk [tilespmem:v34+s30+$0x0], $0xffff;
	v49 =	vshll.u32 v46, $0x10;
	v46 =	vand.u32 $0xFFFF0000, v46  }
0x1f7: {  	v41 =	vor.u32 v29, v41;
	v44 =	vor.u32 v27, v44;
	v45 =	vor.u32 v30, v45;
	v35 =	vld.idx.msk [tilespmem:v35+s30+$0x0], $0xffff  }
0x1f8: {  	v21 =	vadd.s32 $0x7800, v21;
	v39 =	vor.u32 v31, v39;
	v42 =	vor.u32 v32, v42;
	v38 =	vld.idx.msk [tilespmem:v38+s30+$0x0], $0xffff  }
0x1f9: {  	v15 =	vadd.s32 $0x7800, v15;
	v50 =	vshll.u32 v47, $0x10;
	v47 =	vand.u32 $0xFFFF0000, v47;
	v37 =	vld.idx.msk [tilespmem:v37+s30+$0x0], $0xffff  }
0x1fa: {  	v16 =	vadd.s32 $0x7800, v16;
	v18 =	vadd.s32 $0x7800, v18;
	v19 =	vadd.s32 $0x7800, v19;
	v40 =	vld.idx.msk [tilespmem:v40+s30+$0x0], $0xffff  }
0x1fb: {  	v21 =	vand.u32 $0x1FF80, v21;
	v20 =	vadd.s32 $0x7800, v20;
	v33 =	vmul.f32 v48, v33;
	[tilespmem:v6+s24+$0x0] =	vst.idx.add.f32.msk $0xffff, v8  }
0x1fc: {  	v6 =	vmul.f32 v36, v34;
	v8 =	vand.u32 $0x1FF80, v15;
	v15 =	vand.u32 $0x1FF80, v16;
	[tilespmem:v5+s24+$0x0] =	vst.idx.add.f32.msk $0xffff, v7  }
0x1fd: {  	v16 =	vand.u32 $0x1FF80, v19;
	v5 =	vmul.f32 v49, v35;
	v7 =	vand.u32 $0x1FF80, v18;
	[tilespmem:v43+s24+$0x0] =	vst.idx.add.f32.msk $0xffff, v33  }
0x1fe: {  	v19 =	vand.u32 $0x1FF80, v20;
	v18 =	vmul.f32 v46, v38;
	[tilespmem:v41+s24+$0x0] =	vst.idx.add.f32.msk $0xffff, v6;
	v6 =	vor.u32 v26, v21  }
0x1ff: {  	v8 =	vor.u32 v12, v8;
	v12 =	vadd.s32 $0x7800, v17;
	[tilespmem:v44+s24+$0x0] =	vst.idx.add.f32.msk $0xffff, v5;
	v5 =	vmul.f32 v50, v37  }
0x200: {  	v9 =	vadd.s32 $0x7800, v9;
	v15 =	vor.u32 v22, v15;
	v17 =	vmul.f32 v47, v40;
	[tilespmem:v45+s24+$0x0] =	vst.idx.add.f32.msk $0xffff, v18  }
0x201: {  	v16 =	vor.u32 v24, v16;
	v18 =	vor.u32 v23, v7;
	v7 =	vadd.s32 $0x7800, v10;
	[tilespmem:v39+s24+$0x0] =	vst.idx.add.f32.msk $0xffff, v5  }
0x202: {  	v10 =	vadd.s32 $0x7800, v13;
	v5 =	vadd.s32 $0x7800, v11;
	[tilespmem:v42+s24+$0x0] =	vst.idx.add.f32.msk $0xffff, v17;
	v17 =	vor.u32 v25, v19  }
0x203: {  	v9 =	vand.u32 $0x1FF80, v9;
	v11 =	vand.u32 $0x1FF80, v12;
	v12 =	vadd.s32 $0x7800, v14;
	v13 =	vld [tilespmem:s11+$0x0]  }
0x204: {  	v7 =	vand.u32 $0x1FF80, v7;
	v10 =	vand.u32 $0x1FF80, v10;
	v5 =	vand.u32 $0x1FF80, v5;
	v14 =	vld [tilespmem:s9+$0x0]  }
0x205: {  	v22 =	vor.u32 v29, v9;
	v11 =	vor.u32 v28, v11;
	v12 =	vand.u32 $0x1FF80, v12;
	v9 =	vld [tilespmem:s10+$0x0]  }
0x206: {  	v20 =	vor.u32 v31, v10;
	v5 =	vor.u32 v30, v5;
	v19 =	vld.idx.msk [tilespmem:v6+s30+$0x0], $0xffff;
	v6 =	vor.u32 v27, v7  }
0x207: {  	v24 =	vor.u32 v32, v12;
	v21 =	vld.idx.msk [tilespmem:v8+s30+$0x0], $0xffff  }
0x208: {  	v23 =	vshll.u32 v13, $0x10;
	v25 =	vand.u32 $0xFFFF0000, v13;
	v7 =	vld.idx.msk [tilespmem:v15+s30+$0x0], $0xffff  }
.Ltmp4:
0x209: {  	v8 =	vshll.u32 v14, $0x10;
	v14 =	vand.u32 $0xFFFF0000, v14;
	v10 =	vld.idx.msk [tilespmem:v18+s30+$0x0], $0xffff;
	(pc) =	sbr.rel @p1 .LBB2_7-.Ltmp4, $4  }
0x20a: {  	v12 =	vshll.u32 v9, $0x10;
	v9 =	vand.u32 $0xFFFF0000, v9;
	v15 =	vld.idx.msk [tilespmem:v16+s30+$0x0], $0xffff  }
0x20b: {  	v16 =	vld.idx.msk [tilespmem:v17+s30+$0x0], $0xffff  }
0x20c: {  	v13 =	vmul.f32 v23, v19;
	[tilespmem:v1+s24+$0x0] =	vst.idx.add.f32.msk $0xffff, v4;
	v1 =	vmov v20  }
0x20d: {  	s2 =	sadd.s32 $0x100, s2;
	v23 =	vmul.f32 v25, v21;
	[tilespmem:v2+s24+$0x0] =	vst.idx.add.f32.msk $0xffff, v3;
	v2 =	vmov v24  }
0x20e: {  	_ =	sdelay $0x3  }
0x20f: {  	v3 =	vmul.f32 v8, v7;
	[tilespmem:v11+s24+$0x0] =	vst.idx.add.f32.msk $0xffff, v13  }
.Ltmp5:
0x210: {  	v4 =	vmul.f32 v14, v10;
	[tilespmem:v22+s24+$0x0] =	vst.idx.add.f32.msk $0xffff, v23;
	(pc) =	sbr.rel @p0 .LBB2_10-.Ltmp5, $4  }
0x211: {  	v63 =	vmul.f32 v12, v15;
	[tilespmem:v6+s24+$0x0] =	vst.idx.add.f32.msk $0xffff, v3  }
0x212: {  	v3 =	vmul.f32 v9, v16;
	[tilespmem:v5+s24+$0x0] =	vst.idx.add.f32.msk $0xffff, v4  }
0x213: {  	[tilespmem:v1+s24+$0x0] =	vst.idx.add.f32.msk $0xffff, v63  }
0x214: {  	[tilespmem:v2+s24+$0x0] =	vst.idx.add.f32.msk $0xffff, v3  }
0x215: {  	s0 =	sadd.s32 $0x3, s7  }
0x216: {  	s2 =	sshll.u32 s0, $0x8  }
0x217: {  	s2 =	sadd.s32 s1, s2  }
0x218: {  	[tilespmem:s28], [sflag:$0x2] =	stream.linear.gather [hbm4b:s2+s4], $0x80, $0x38;
	[tilespmem:$0x17000] =	vst v63  }
0x219: {  	s20 =	simm.s32 $0x180;
	s6 =	sadd.s32 $0x10, s2  }
0x21a: {  	[tilespmem:s20], [sflag:$0x2] =	stream.linear.gather [hbm4b:s6+s4], $0x80, $0x38;
	[tilespmem:$0x17000] =	vst v63  }
0x21b: {  	s8 =	simm.s32 $0x280;
	s7 =	sadd.s32 $0x20, s2  }
0x21c: {  	[tilespmem:s8], [sflag:$0x2] =	stream.linear.gather [hbm4b:s7+s4], $0x80, $0x38;
	[tilespmem:$0x17000] =	vst v63  }
0x21d: {  	s10 =	simm.s32 $0x380;
	s9 =	sadd.s32 $0x30, s2  }
0x21e: {  	[tilespmem:s10], [sflag:$0x2] =	stream.linear.gather [hbm4b:s9+s4], $0x80, $0x38;
	[tilespmem:$0x17000] =	vst v63  }
0x21f: {  	s12 =	simm.s32 $0x480;
	s11 =	sadd.s32 $0x40, s2  }
0x220: {  	[tilespmem:s12], [sflag:$0x2] =	stream.linear.gather [hbm4b:s11+s4], $0x80, $0x38;
	[tilespmem:$0x17000] =	vst v63  }
0x221: {  	s14 =	simm.s32 $0x580;
	s13 =	sadd.s32 $0x50, s2  }
0x222: {  	[tilespmem:s14], [sflag:$0x2] =	stream.linear.gather [hbm4b:s13+s4], $0x80, $0x38;
	[tilespmem:$0x17000] =	vst v63  }
0x223: {  	s16 =	simm.s32 $0x680;
	s15 =	sadd.s32 $0x60, s2  }
0x224: {  	[tilespmem:s16], [sflag:$0x2] =	stream.linear.gather [hbm4b:s15+s4], $0x80, $0x38;
	[tilespmem:$0x17000] =	vst v63  }
0x225: {  	s18 =	simm.s32 $0x780;
	s17 =	sadd.s32 $0x70, s2  }
0x226: {  	[tilespmem:s18], [sflag:$0x2] =	stream.linear.gather [hbm4b:s17+s4], $0x80, $0x38;
	[tilespmem:$0x17000] =	vst v63  }
0x227: {  	s19 =	sadd.s32 $0x80, s2;
	s20 =	simm.s32 $0x880  }
0x228: {  	[tilespmem:s20], [sflag:$0x2] =	stream.linear.gather [hbm4b:s19+s4], $0x80, $0x38;
	[tilespmem:$0x17000] =	vst v63  }
0x229: {  	s8 =	sadd.s32 $0x90, s2;
	s9 =	simm.s32 $0x980  }
0x22a: {  	[tilespmem:s9], [sflag:$0x2] =	stream.linear.gather [hbm4b:s8+s4], $0x80, $0x38;
	[tilespmem:$0x17000] =	vst v63  }
0x22b: {  	s10 =	sadd.s32 $0xA0, s2;
	s11 =	simm.s32 $0xA80  }
0x22c: {  	[tilespmem:s11], [sflag:$0x2] =	stream.linear.gather [hbm4b:s10+s4], $0x80, $0x38;
	[tilespmem:$0x17000] =	vst v63  }
0x22d: {  	s12 =	sadd.s32 $0xB0, s2;
	s13 =	simm.s32 $0xB80  }
0x22e: {  	[tilespmem:s13], [sflag:$0x2] =	stream.linear.gather [hbm4b:s12+s4], $0x80, $0x38;
	[tilespmem:$0x17000] =	vst v63  }
0x22f: {  	s14 =	sadd.s32 $0xC0, s2;
	s15 =	simm.s32 $0xC80  }
0x230: {  	[tilespmem:s15], [sflag:$0x2] =	stream.linear.gather [hbm4b:s14+s4], $0x80, $0x38;
	[tilespmem:$0x17000] =	vst v63  }
0x231: {  	s16 =	sadd.s32 $0xD0, s2;
	s17 =	simm.s32 $0xD80  }
0x232: {  	[tilespmem:s17], [sflag:$0x2] =	stream.linear.gather [hbm4b:s16+s4], $0x80, $0x38;
	[tilespmem:$0x17000] =	vst v63  }
0x233: {  	s0 =	sshll.u32 s0, $0xC;
	s18 =	sadd.s32 $0xE0, s2;
	s19 =	simm.s32 $0xE80  }
0x234: {  	[tilespmem:s19], [sflag:$0x2] =	stream.linear.gather [hbm4b:s18+s4], $0x80, $0x38;
	[tilespmem:$0x17000] =	vst v63  }
.Ltmp6:
0x235: {  	s0 =	sadd.s32 s5, s0;
	(pc) =	sbr.rel .LBB2_4-.Ltmp6, $4  }
0x236: {  	s0 =	sshrl.u32 s0, $0x3;
	s2 =	sadd.s32 $0xF0, s2;
	s20 =	simm.s32 $0xF80  }
0x237: {  	[tilespmem:s20], [sflag:$0x2] =	stream.linear.gather [hbm4b:s2+s4], $0x80, $0x38;
	[tilespmem:$0x17000] =	vst v63  }
0x238: {  	s31 =	sadd.s32 $0x1, s31;
	s0 =	sadd.s32 s3, s0  }
0x239: {  	[tilespmem:s21], [sflag:$0x4] =	stream.linear.gather [hbm4b:s0+s4], $0x1000, $0x38;
	[tilespmem:$0x17000] =	vst v63  }
.LBB2_11:
0x23a: {  	_ =	sfence.sel $0x180000  }
0x23b: {  	[bflag:$0x0] =	sbarrier.arrive $0xFFFF  }
0x23c: {  	_ =	strace $0x90000047  }
0x23d: {  	s0 =	stileid.u32;
	[bflag:$0x2] =	sbarrier.arrive $0xFFFF  }
0x23e: {  	p0 =	sne.s32 s0, $0x0;
	s0 =	rddreg [dreg:$0x4]  }
0x23f: {  	s0 =	sadd.s32 @!p0 $0x100000, s0  }
0x240: {  	[sflag:s0] =	ssyncadd.tile.s32 @!p0 $0x1;
	_ =	shalt  }
.Lfunc_end2:
_tile_overlayer_lowered:
.L_overlay_start_2:
0x241: {  	(tag) =	ssettag $0x2  }
0x242: {  	s0 =	rddreg [dreg:$0x0];
	s2 =	stileid.u32  }
0x243: {  	s1 =	rddreg [dreg:$0x1];
	p0 =	sne.s32 s2, $0x0  }
0x244: {  	s3 =	rddreg [dreg:$0x2];
	[bflag:$0x3] =	sbarrier.arrive $0xFFFF;
	s2 =	simm.s32 @!p0 $0x1C05  }
0x245: {  	[timem:s3], [sflag:s2] =	dma.local @!p0 [hbm:s0], s1  }
0x246: {  	s0 =	simm.s32 @!p0 $0x5  }
0x247: {  	_ =	swait.ge @!p0 [sflag:s0], s1  }
0x248: {  	s1 =	ssub.s32 @!p0 $0x0, s1;
	[sflag:s0] =	ssyncset.done @!p0 $0x0  }
0x249: {  	[sflag:s0] =	ssyncadd.s32 @!p0 s1  }
0x24a: {  	[bflag:$0x3] =	sbarrier.arrive $0xFFFF  }
0x24b: {  	_ =	shalt  }

</sc_bundles>
